<compile_context>
chip_gen: v7x
topology: tpu7x:2x2x1
jax: 0.10.2.dev20260603
libtpu: 0.0.44.dev20260713+nightly
codegen_flags: <defaults>
</compile_context>

<pallas_src>
import functools

import jax
import jax.numpy as jnp
from jax import lax
from jax.experimental import pallas as pl
from jax.experimental.pallas import tpu as pltpu
from jax.experimental.pallas import tpu_sc as plsc

_N_SCORE = 5000
_N_NMS = 1000
_TH = 0.7
_TILE = 256
_NT = 20
_NPAD = _NT * _TILE
_OUT_PAD = 1024

_SORT_N = 32768
_SORT_R = _SORT_N // 128
_SIDX_R = _NPAD // 128
_N_IN = 20000


def _sort_body(keys_ref, outidx_ref):
    def flat_of(rows):
        r = lax.broadcasted_iota(jnp.int32, (rows, 128), 0)
        c = lax.broadcasted_iota(jnp.int32, (rows, 128), 1)
        return r * 128 + c

    def resolve(keys, idx, pkey, pidx, bit, k, flat):
        first = (keys > pkey) | ((keys == pkey) & (idx < pidx))
        dir_asc = (flat & k) != 0
        keep_mine = (first != bit) != dir_asc
        return (jnp.where(keep_mine, keys, pkey),
                jnp.where(keep_mine, idx, pidx))

    def ex_sub(keys, idx, k, j, flat, rows):
        js = lax.shift_right_logical(j, 7)
        ku = pltpu.roll(keys, rows - js, axis=0)
        kd = pltpu.roll(keys, js, axis=0)
        iu = pltpu.roll(idx, rows - js, axis=0)
        id_ = pltpu.roll(idx, js, axis=0)
        bit = (flat & j) != 0
        return resolve(keys, idx, jnp.where(bit, kd, ku),
                       jnp.where(bit, id_, iu), bit, k, flat)

    def ex_lane(keys, idx, k, j, flat):
        ku = pltpu.roll(keys, 128 - j, axis=1)
        kd = pltpu.roll(keys, j, axis=1)
        iu = pltpu.roll(idx, 128 - j, axis=1)
        id_ = pltpu.roll(idx, j, axis=1)
        bit = (flat & j) != 0
        return resolve(keys, idx, jnp.where(bit, kd, ku),
                       jnp.where(bit, id_, iu), bit, k, flat)

    def merge_pass(keys, idx, k, j0, flat, rows):
        def isub(s):
            keys, idx, j = s
            keys, idx = ex_sub(keys, idx, k, j, flat, rows)
            return keys, idx, lax.shift_right_logical(j, 1)

        def ilane(s):
            keys, idx, j = s
            keys, idx = ex_lane(keys, idx, k, j, flat)
            return keys, idx, lax.shift_right_logical(j, 1)

        s = lax.while_loop(lambda s: s[2] >= 128, isub, (keys, idx, j0))
        keys, idx, _ = lax.while_loop(lambda s: s[2] >= 1, ilane, s)
        return keys, idx

    rows_a = 160
    flat_a = flat_of(rows_a)
    keys_a = keys_ref[0][:rows_a]
    idx_a = flat_a

    def pass_a(s):
        keys, idx, k = s
        keys, idx = merge_pass(keys, idx, k, lax.shift_right_logical(k, 1),
                               flat_a, rows_a)
        return keys, idx, k * 2

    keys_a, idx_a, _ = lax.while_loop(lambda s: s[2] <= 4096, pass_a,
                                      (keys_a, idx_a, jnp.int32(2)))

    flat_b = flat_of(_SORT_R)
    keys = jnp.concatenate([keys_a, keys_ref[0][rows_a:]], axis=0)
    idx = jnp.concatenate([idx_a, flat_b[rows_a:]], axis=0)
    for k in (8192, 16384):
        keys, idx = merge_pass(keys, idx, jnp.int32(k), jnp.int32(k // 2),
                               flat_b, _SORT_R)
    k = jnp.int32(_SORT_N)
    keys, idx = ex_sub(keys, idx, k, jnp.int32(16384), flat_b, _SORT_R)
    keys, idx = keys[:128], idx[:128]
    keys, idx = ex_sub(keys, idx, k, jnp.int32(8192), flat_of(128), 128)
    keys, idx = keys[:64], idx[:64]
    keys, idx = merge_pass(keys, idx, k, jnp.int32(4096), flat_of(64), 64)
    outidx_ref[0] = idx[:_SIDX_R, :]


def _sort_call(keys):
    b = keys.shape[0]
    return pl.pallas_call(
        _sort_body,
        grid=(b,),
        in_specs=[pl.BlockSpec((1, _SORT_R, 128), lambda bb: (bb, 0, 0))],
        out_specs=pl.BlockSpec((1, _SIDX_R, 128), lambda bb: (bb, 0, 0)),
        out_shape=jax.ShapeDtypeStruct((b, _SIDX_R, 128), jnp.int32),
        compiler_params=pltpu.CompilerParams(
            dimension_semantics=("parallel",)),
    )(keys)


_GCHUNK = (4 * _NPAD) // 32
_IMG_WORDS = _N_IN * 4


def _gather_body(idx_hbm, roi_hbm, out_hbm, idx_v, table_v, rows_v, sem):
    wid = lax.axis_index("s") * 2 + lax.axis_index("c")
    base = wid * _GCHUNK
    img = wid // 8
    pltpu.sync_copy(idx_hbm.at[pl.ds(base, _GCHUNK)], idx_v)
    pltpu.async_copy(roi_hbm.at[pl.ds(img * _IMG_WORDS, _IMG_WORDS)],
                     table_v, sem).wait()
    lane = lax.broadcasted_iota(jnp.int32, (16,), 0)

    def group(g, _):
        i16 = idx_v[pl.ds(g * 16, 16)]
        for c in range(4):
            vals = plsc.load_gather(table_v, [i16 * 4 + c])
            plsc.store_scatter(rows_v, [g * 64 + lane * 4 + c], vals)
        return 0

    lax.fori_loop(0, _GCHUNK // 16, group, 0)
    pltpu.sync_copy(rows_v, out_hbm.at[pl.ds(base * 4, _GCHUNK * 4)])


def _gather_call(gidx, roi_flat):
    n = gidx.shape[0]
    kern = functools.partial(
        pl.kernel,
        mesh=plsc.VectorSubcoreMesh(core_axis_name="c", subcore_axis_name="s"),
        out_type=jax.ShapeDtypeStruct((n * 4,), jnp.float32),
        scratch_types=[
            pltpu.VMEM((_GCHUNK,), jnp.int32),
            pltpu.VMEM((_IMG_WORDS,), jnp.float32),
            pltpu.VMEM((_GCHUNK * 4,), jnp.float32),
            pltpu.SemaphoreType.DMA,
        ],
        compiler_params=pltpu.CompilerParams(use_tc_tiling_on_sc=False,
                                             needs_layout_passes=False),
    )(_gather_body)
    return kern(gidx, roi_flat).reshape(n, 4)


def _nms_body(boxes_ref, boxesT_ref, out_ref, keep_ref):
    out_ref[0] = jnp.zeros((_OUT_PAD, 4), jnp.float32)

    iota_r = lax.broadcasted_iota(jnp.int32, (_TILE, _TILE), 0)
    iota_c = lax.broadcasted_iota(jnp.int32, (_TILE, _TILE), 1)
    lower_tri = jnp.where(iota_r > iota_c, 1.0, 0.0)
    incl_tri = jnp.where(iota_r <= iota_c, 1.0, 0.0)
    eye = jnp.where(iota_r == iota_c, 1.0, 0.0)
    col_iota = lax.broadcasted_iota(jnp.int32, (_TILE, 1), 0)
    out_iota = lax.broadcasted_iota(jnp.int32, (_OUT_PAD, 1), 0)

    def iou_vs(y1r, x1r, y2r, x2r, area_r, tile_t):
        y1c = tile_t[0:1, :]
        x1c = tile_t[1:2, :]
        y2c = tile_t[2:3, :]
        x2c = tile_t[3:4, :]
        area_c = (y2c - y1c) * (x2c - x1c)
        ih = jnp.maximum(0.0, jnp.minimum(y2r, y2c) - jnp.maximum(y1r, y1c))
        iw = jnp.maximum(0.0, jnp.minimum(x2r, x2c) - jnp.maximum(x1r, x1c))
        inter = ih * iw
        union = area_r + area_c - inter
        return jnp.where(union > 0.0, inter / union, 0.0)

    def process_tile(carry):
        i, cnt = carry
        tile = boxes_ref[0, i]
        tile_t = boxesT_ref[0, i]
        y1r = tile[:, 0:1]
        x1r = tile[:, 1:2]
        y2r = tile[:, 2:3]
        x2r = tile[:, 3:4]
        area_r = (y2r - y1r) * (x2r - x1r)

        def cross(j, sup):
            iou = iou_vs(y1r, x1r, y2r, x2r, area_r, boxesT_ref[0, j])
            keep_j = keep_ref[j, 0:1, :]
            hit = jnp.where((iou > _TH) & (keep_j > 0.0), 1.0, 0.0)
            return sup + jnp.sum(hit, axis=1, keepdims=True)

        sup = lax.fori_loop(0, i, cross, jnp.zeros((_TILE, 1), jnp.float32))

        iou_self = iou_vs(y1r, x1r, y2r, x2r, area_r, tile_t)
        m_mat = jnp.where(iou_self > _TH, 1.0, 0.0) * lower_tri
        valid = jnp.where(i * _TILE + col_iota < _N_SCORE, 1.0, 0.0)
        base = valid * jnp.where(sup > 0.0, 0.0, 1.0)

        def fix_step(k):
            s = jnp.dot(m_mat, k, preferred_element_type=jnp.float32)
            return base * jnp.where(s > 0.0, 0.0, 1.0)

        def fix_cond(c):
            old, new = c
            return jnp.any(old != new)

        def fix_body(c):
            _, k = c
            return k, fix_step(k)

        _, keep = lax.while_loop(fix_cond, fix_body, (base, fix_step(base)))

        keep_row = jnp.sum(keep * eye, axis=0, keepdims=True)
        keep_ref[i, 0:1, :] = keep_row

        cum = jnp.dot(keep_row, incl_tri, preferred_element_type=jnp.float32)
        pos = cnt + cum.astype(jnp.int32) - 1
        onehot = jnp.where((out_iota == pos) & (keep_row > 0.0), 1.0, 0.0)
        cols = [
            jnp.sum(onehot * tile_t[c : c + 1, :], axis=1, keepdims=True)
            for c in range(4)
        ]
        out_ref[0] += jnp.concatenate(cols, axis=1)

        new_cnt = cnt + jnp.sum(keep_row).astype(jnp.int32)
        return i + 1, new_cnt

    def outer_cond(carry):
        i, cnt = carry
        return (i < _NT) & (cnt < _N_NMS)

    lax.while_loop(outer_cond, process_tile, (jnp.int32(0), jnp.int32(0)))


def _nms_call(boxes, boxes_t):
    b = boxes.shape[0]
    return pl.pallas_call(
        _nms_body,
        grid=(b,),
        in_specs=[
            pl.BlockSpec((1, _NT, _TILE, 4), lambda bb: (bb, 0, 0, 0)),
            pl.BlockSpec((1, _NT, 4, _TILE), lambda bb: (bb, 0, 0, 0)),
        ],
        out_specs=pl.BlockSpec((1, _OUT_PAD, 4), lambda bb: (bb, 0, 0)),
        out_shape=jax.ShapeDtypeStruct((b, _OUT_PAD, 4), jnp.float32),
        scratch_shapes=[pltpu.VMEM((_NT, 8, _TILE), jnp.float32)],
        compiler_params=pltpu.CompilerParams(
            dimension_semantics=("parallel",)),
    )(boxes, boxes_t)


def kernel(rpn_prob, rpn_roi):
    b = rpn_prob.shape[0]
    n = rpn_prob.shape[1]
    scores = rpn_prob[..., 0]
    bits = lax.bitcast_convert_type(scores, jnp.int32)
    keys = jnp.concatenate(
        [bits, jnp.full((b, _SORT_N - n), -1, jnp.int32)], axis=1)
    sidx = _sort_call(keys.reshape(b, _SORT_R, 128))
    gidx = sidx.reshape(b * _NPAD)
    top_roi = _gather_call(gidx, rpn_roi.reshape(b * n * 4))
    boxes = top_roi.reshape(b, _NT, _TILE, 4)
    boxes_t = jnp.swapaxes(boxes, 2, 3)
    out = _nms_call(boxes, boxes_t)
    return out[:, :_N_NMS, :]

# --- scband reference (transcript-rebuilt; emitter-appended) ---
"""Pipeline reference for scband-suppress-block-55602646614361 (READ-ONLY COPY).

The authoritative reference and input builder live on the scoring server;
editing this copy changes nothing except your own understanding.
"""

import jax, jax.numpy as jnp
import numpy as np

N_SCORE = 5000
N_NMS = 1000
NMS_TH = 0.7


def _pairwise_iou(boxes):
    # boxes: [n, 4] in (y1, x1, y2, x2) convention (tf.image.non_max_suppression)
    y1 = boxes[:, 0]
    x1 = boxes[:, 1]
    y2 = boxes[:, 2]
    x2 = boxes[:, 3]
    area = (y2 - y1) * (x2 - x1)
    inter_h = jnp.maximum(0.0, jnp.minimum(y2[:, None], y2[None, :]) - jnp.maximum(y1[:, None], y1[None, :]))
    inter_w = jnp.maximum(0.0, jnp.minimum(x2[:, None], x2[None, :]) - jnp.maximum(x1[:, None], x1[None, :]))
    inter = inter_h * inter_w
    union = area[:, None] + area[None, :] - inter
    return jnp.where(union > 0.0, inter / union, 0.0)


def _nms_keep(boxes_sorted, iou_th):
    # greedy NMS over score-sorted boxes; returns bool keep mask [n]
    n = boxes_sorted.shape[0]
    iou = _pairwise_iou(boxes_sorted)
    idxs = jnp.arange(n)

    def body(i, keep):
        row = jax.lax.dynamic_index_in_dim(iou, i, axis=0, keepdims=False)
        suppress = (row > iou_th) & (idxs > i) & keep[i]
        return keep & (~suppress)

    return jax.lax.fori_loop(0, n, body, jnp.ones((n,), dtype=bool))


def _suppress_one(rpn_prob, rpn_roi):
    # rpn_prob: [N, 1], rpn_roi: [N, 4]
    scores = rpn_prob[:, 0]
    top_score, top_idx = jax.lax.top_k(scores, N_SCORE)  # sorted descending
    top_roi = jnp.take(rpn_roi, top_idx, axis=0)
    keep = jax.lax.stop_gradient(_nms_keep(jax.lax.stop_gradient(top_roi), NMS_TH))
    # select first N_NMS kept boxes in score order (stable sort: kept first)
    order = jnp.argsort((~keep).astype(jnp.int32))
    sel = order[:N_NMS]
    valid = keep[sel]
    rois = jnp.take(top_roi, sel, axis=0) * valid[:, None].astype(top_roi.dtype)
    return rois  # [N_NMS, 4], zero-padded where fewer than N_NMS survive


def setup_inputs(seed: int = 0) -> dict:
    key = jax.random.key(seed)
    k1, k2 = jax.random.split(key)
    rpn_prob = jax.random.uniform(k1, (4, 20000, 1), dtype=jnp.float32)
    rpn_roi = jax.random.uniform(k2, (4, 20000, 4), dtype=jnp.float32)
    return {"rpn_prob": rpn_prob, "rpn_roi": rpn_roi}


def reference(rpn_prob, rpn_roi):
    # batched map over images (mirrors tf.map_fn)
    out = jax.lax.map(lambda args: _suppress_one(args[0], args[1]), (rpn_prob, rpn_roi))
    return out  # [B, N_NMS, 4]

if __name__ == "__main__":
    import jax
    _d = setup_inputs()
    print(jax.jit(kernel)(*tuple(_d.values())))

</pallas_src>

<mosaic_0001>
#map = affine_map<(d0, d1) -> (0)>
module attributes {stable_mosaic.version = 14 : i64} {
  func.func @_gather_body(%arg0: i32, %arg1: i32, %arg2: memref<20480xi32, #tpu.memory_space<hbm>>, %arg3: memref<320000xf32, #tpu.memory_space<hbm>>, %arg4: memref<81920xf32, #tpu.memory_space<hbm>>, %arg5: memref<640xi32, #tpu.memory_space<vmem>>, %arg6: memref<80000xf32, #tpu.memory_space<vmem>>, %arg7: memref<2560xf32, #tpu.memory_space<vmem>>, %arg8: memref<!tpu.dma_semaphore, #tpu.memory_space<semaphore_mem>>) attributes {dimension_semantics = [#tpu.dimension_semantics<core_parallel>, #tpu.dimension_semantics<subcore_parallel>], iteration_bounds = array<i64: 2, 16>, scalar_prefetch = 0 : i64, scratch_operands = 4 : i64, tpu.core_type = #tpu.core_type<sc_vector_subcore>, window_params = [{transform_indices = #map}, {transform_indices = #map}, {transform_indices = #map}]} {
    %mul3A = arith.constant 2 : i32
    %mul3A_0 = arith.muli %arg1, %mul3A : i32
    %add3A = arith.addi %mul3A_0, %arg0 : i32
    %mul3A_1 = arith.constant 640 : i32
    %mul3A_2 = arith.muli %add3A, %mul3A_1 : i32
    %jit3A = arith.constant 8 : i32
    %div3A = arith.divsi %add3A, %jit3A : i32
    %sign3A = arith.constant 0 : i32
    %sign3A_3 = arith.cmpi sgt, %add3A, %sign3A : i32
    %sign3A_4 = arith.extui %sign3A_3 : i1 to i32
    %sign3A_5 = arith.constant 0 : i32
    %sign3A_6 = arith.cmpi slt, %add3A, %sign3A_5 : i32
    %sign3A_7 = arith.extui %sign3A_6 : i1 to i32
    %sign3A_8 = arith.subi %sign3A_4, %sign3A_7 : i32
    %sign3A_9 = arith.constant 0 : i32
    %sign3A_10 = arith.cmpi sgt, %jit3A, %sign3A_9 : i32
    %sign3A_11 = arith.extui %sign3A_10 : i1 to i32
    %sign3A_12 = arith.constant 0 : i32
    %sign3A_13 = arith.cmpi slt, %jit3A, %sign3A_12 : i32
    %sign3A_14 = arith.extui %sign3A_13 : i1 to i32
    %sign3A_15 = arith.subi %sign3A_11, %sign3A_14 : i32
    %ne3A = arith.cmpi ne, %sign3A_8, %sign3A_15 : i32
    %rem3A = arith.remsi %add3A, %jit3A : i32
    %ne3A_16 = arith.constant 0 : i32
    %ne3A_17 = arith.cmpi ne, %rem3A, %ne3A_16 : i32
    %and3A = arith.andi %ne3A, %ne3A_17 : i1
    %sub3A = arith.constant 1 : i32
    %sub3A_18 = arith.subi %div3A, %sub3A : i32
    %select_n3A = arith.select %and3A, %sub3A_18, %div3A : i32
    "tpu.region"() ({
      %run_scoped3A = tpu.sem_alloc : memref<!tpu.dma_semaphore, #tpu.memory_space<semaphore_mem>>
      %dma_start3A_31 = tpu.memref_slice %arg2[%mul3A_2] : memref<20480xi32, #tpu.memory_space<hbm>> -> memref<640xi32, #tpu.memory_space<hbm>>
      %dma_start3A_32 = tpu.memref_slice %arg2[%mul3A_2] : memref<20480xi32, #tpu.memory_space<hbm>> -> memref<640xi32, #tpu.memory_space<hbm>>
      tpu.enqueue_dma source(%dma_start3A_32 : memref<640xi32, #tpu.memory_space<hbm>>) target(%arg5 : memref<640xi32, #tpu.memory_space<vmem>>) target_semaphore(%run_scoped3A : memref<!tpu.dma_semaphore, #tpu.memory_space<semaphore_mem>>)
      %dma_wait3A_33 = tpu.memref_slice %arg2[%mul3A_2] : memref<20480xi32, #tpu.memory_space<hbm>> -> memref<640xi32, #tpu.memory_space<hbm>>
      %dma_wait3A_34 = tpu.memref_slice %arg2[%mul3A_2] : memref<20480xi32, #tpu.memory_space<hbm>> -> memref<640xi32, #tpu.memory_space<hbm>>
      tpu.wait_dma2 semaphore(%run_scoped3A : memref<!tpu.dma_semaphore, #tpu.memory_space<semaphore_mem>>) src(%dma_wait3A_34 : memref<640xi32, #tpu.memory_space<hbm>>) dst(%arg5 : memref<640xi32, #tpu.memory_space<vmem>>)
      tpu.yield
    }) : () -> ()
    %mul3A_19 = arith.constant 80000 : i32
    %mul3A_20 = arith.muli %select_n3A, %mul3A_19 : i32
    %dma_start3A = tpu.memref_slice %arg3[%mul3A_20] : memref<320000xf32, #tpu.memory_space<hbm>> -> memref<80000xf32, #tpu.memory_space<hbm>>
    %dma_start3A_21 = tpu.memref_slice %arg3[%mul3A_20] : memref<320000xf32, #tpu.memory_space<hbm>> -> memref<80000xf32, #tpu.memory_space<hbm>>
    tpu.enqueue_dma source(%dma_start3A_21 : memref<80000xf32, #tpu.memory_space<hbm>>) target(%arg6 : memref<80000xf32, #tpu.memory_space<vmem>>) target_semaphore(%arg8 : memref<!tpu.dma_semaphore, #tpu.memory_space<semaphore_mem>>)
    %dma_wait3A = tpu.memref_slice %arg3[%mul3A_20] : memref<320000xf32, #tpu.memory_space<hbm>> -> memref<80000xf32, #tpu.memory_space<hbm>>
    %dma_wait3A_22 = tpu.memref_slice %arg3[%mul3A_20] : memref<320000xf32, #tpu.memory_space<hbm>> -> memref<80000xf32, #tpu.memory_space<hbm>>
    tpu.wait_dma2 semaphore(%arg8 : memref<!tpu.dma_semaphore, #tpu.memory_space<semaphore_mem>>) src(%dma_wait3A_22 : memref<80000xf32, #tpu.memory_space<hbm>>) dst(%arg6 : memref<80000xf32, #tpu.memory_space<vmem>>)
    %iota3A = tpu.iota {dimensions = array<i32: 0>} : vector<16xi32>
    %scan3A = arith.constant 0 : i32
    %scan3A_23 = arith.constant 0 : i32
    %scan3A_24 = arith.constant 40 : i32
    %scan3A_25 = arith.addi %scan3A_23, %scan3A_24 : i32
    %scan3A_26 = arith.constant 1 : i32
    %scan3A_27 = scf.for %scan3A_31 = %scan3A_23 to %scan3A_25 step %scan3A_26 iter_args(%scan3A_32 = %scan3A) -> (i32)  : i32 {
      %mul3A_33 = arith.constant 16 : i32
      %mul3A_34 = arith.muli %scan3A_31, %mul3A_33 : i32
      %get3A = arith.index_cast %mul3A_34 : i32 to index
      %get3A_35 = tpu.vector_load %arg5[%get3A] {strides = array<i32>} : memref<640xi32, #tpu.memory_space<vmem>>, vector<16xi32>,
      %mul3A_36 = arith.constant 4 : i32
      %mul3A_37 = vector.broadcast %mul3A_36 : i32 to vector<16xi32>
      %mul3A_38 = arith.muli %get3A_35, %mul3A_37 : vector<16xi32>
      %add3A_39 = arith.constant 0 : i32
      %add3A_40 = vector.broadcast %add3A_39 : i32 to vector<16xi32>
      %add3A_41 = arith.addi %mul3A_38, %add3A_40 : vector<16xi32>
      %gather3A = tpu.vector_load_idx %arg6[%add3A_41] : memref<80000xf32, #tpu.memory_space<vmem>>[vector<16xi32>], vector<16xf32>,
      %mul3A_42 = arith.constant 64 : i32
      %mul3A_43 = arith.muli %scan3A_31, %mul3A_42 : i32
      %mul3A_44 = arith.constant 4 : i32
      %mul3A_45 = vector.broadcast %mul3A_44 : i32 to vector<16xi32>
      %mul3A_46 = arith.muli %iota3A, %mul3A_45 : vector<16xi32>
      %add3A_47 = vector.broadcast %mul3A_43 : i32 to vector<16xi32>
      %add3A_48 = arith.addi %add3A_47, %mul3A_46 : vector<16xi32>
      %add3A_49 = arith.constant 0 : i32
      %add3A_50 = vector.broadcast %add3A_49 : i32 to vector<16xi32>
      %add3A_51 = arith.addi %add3A_48, %add3A_50 : vector<16xi32>
      tpu.vector_store_idx %arg7[%add3A_51], %gather3A : memref<2560xf32, #tpu.memory_space<vmem>>[vector<16xi32>], vector<16xf32>,
      %mul3A_52 = arith.constant 4 : i32
      %mul3A_53 = vector.broadcast %mul3A_52 : i32 to vector<16xi32>
      %mul3A_54 = arith.muli %get3A_35, %mul3A_53 : vector<16xi32>
      %add3A_55 = arith.constant 1 : i32
      %add3A_56 = vector.broadcast %add3A_55 : i32 to vector<16xi32>
      %add3A_57 = arith.addi %mul3A_54, %add3A_56 : vector<16xi32>
      %gather3A_58 = tpu.vector_load_idx %arg6[%add3A_57] : memref<80000xf32, #tpu.memory_space<vmem>>[vector<16xi32>], vector<16xf32>,
      %mul3A_59 = arith.constant 64 : i32
      %mul3A_60 = arith.muli %scan3A_31, %mul3A_59 : i32
      %mul3A_61 = arith.constant 4 : i32
      %mul3A_62 = vector.broadcast %mul3A_61 : i32 to vector<16xi32>
      %mul3A_63 = arith.muli %iota3A, %mul3A_62 : vector<16xi32>
      %add3A_64 = vector.broadcast %mul3A_60 : i32 to vector<16xi32>
      %add3A_65 = arith.addi %add3A_64, %mul3A_63 : vector<16xi32>
      %add3A_66 = arith.constant 1 : i32
      %add3A_67 = vector.broadcast %add3A_66 : i32 to vector<16xi32>
      %add3A_68 = arith.addi %add3A_65, %add3A_67 : vector<16xi32>
      tpu.vector_store_idx %arg7[%add3A_68], %gather3A_58 : memref<2560xf32, #tpu.memory_space<vmem>>[vector<16xi32>], vector<16xf32>,
      %mul3A_69 = arith.constant 4 : i32
      %mul3A_70 = vector.broadcast %mul3A_69 : i32 to vector<16xi32>
      %mul3A_71 = arith.muli %get3A_35, %mul3A_70 : vector<16xi32>
      %add3A_72 = arith.constant 2 : i32
      %add3A_73 = vector.broadcast %add3A_72 : i32 to vector<16xi32>
      %add3A_74 = arith.addi %mul3A_71, %add3A_73 : vector<16xi32>
      %gather3A_75 = tpu.vector_load_idx %arg6[%add3A_74] : memref<80000xf32, #tpu.memory_space<vmem>>[vector<16xi32>], vector<16xf32>,
      %mul3A_76 = arith.constant 64 : i32
      %mul3A_77 = arith.muli %scan3A_31, %mul3A_76 : i32
      %mul3A_78 = arith.constant 4 : i32
      %mul3A_79 = vector.broadcast %mul3A_78 : i32 to vector<16xi32>
      %mul3A_80 = arith.muli %iota3A, %mul3A_79 : vector<16xi32>
      %add3A_81 = vector.broadcast %mul3A_77 : i32 to vector<16xi32>
      %add3A_82 = arith.addi %add3A_81, %mul3A_80 : vector<16xi32>
      %add3A_83 = arith.constant 2 : i32
      %add3A_84 = vector.broadcast %add3A_83 : i32 to vector<16xi32>
      %add3A_85 = arith.addi %add3A_82, %add3A_84 : vector<16xi32>
      tpu.vector_store_idx %arg7[%add3A_85], %gather3A_75 : memref<2560xf32, #tpu.memory_space<vmem>>[vector<16xi32>], vector<16xf32>,
      %mul3A_86 = arith.constant 4 : i32
      %mul3A_87 = vector.broadcast %mul3A_86 : i32 to vector<16xi32>
      %mul3A_88 = arith.muli %get3A_35, %mul3A_87 : vector<16xi32>
      %add3A_89 = arith.constant 3 : i32
      %add3A_90 = vector.broadcast %add3A_89 : i32 to vector<16xi32>
      %add3A_91 = arith.addi %mul3A_88, %add3A_90 : vector<16xi32>
      %gather3A_92 = tpu.vector_load_idx %arg6[%add3A_91] : memref<80000xf32, #tpu.memory_space<vmem>>[vector<16xi32>], vector<16xf32>,
      %mul3A_93 = arith.constant 64 : i32
      %mul3A_94 = arith.muli %scan3A_31, %mul3A_93 : i32
      %mul3A_95 = arith.constant 4 : i32
      %mul3A_96 = vector.broadcast %mul3A_95 : i32 to vector<16xi32>
      %mul3A_97 = arith.muli %iota3A, %mul3A_96 : vector<16xi32>
      %add3A_98 = vector.broadcast %mul3A_94 : i32 to vector<16xi32>
      %add3A_99 = arith.addi %add3A_98, %mul3A_97 : vector<16xi32>
      %add3A_100 = arith.constant 3 : i32
      %add3A_101 = vector.broadcast %add3A_100 : i32 to vector<16xi32>
      %add3A_102 = arith.addi %add3A_99, %add3A_101 : vector<16xi32>
      tpu.vector_store_idx %arg7[%add3A_102], %gather3A_92 : memref<2560xf32, #tpu.memory_space<vmem>>[vector<16xi32>], vector<16xf32>,
      %scan3A_103 = arith.constant 0 : i32
      scf.yield %scan3A_103 : i32
    }
    %scan3A_28 = arith.constant 40 : i32
    %mul3A_29 = arith.constant 4 : i32
    %mul3A_30 = arith.muli %mul3A_2, %mul3A_29 : i32
    "tpu.region"() ({
      %run_scoped3A = tpu.sem_alloc : memref<!tpu.dma_semaphore, #tpu.memory_space<semaphore_mem>>
      %dma_start3A_31 = tpu.memref_slice %arg4[%mul3A_30] : memref<81920xf32, #tpu.memory_space<hbm>> -> memref<2560xf32, #tpu.memory_space<hbm>>
      %dma_start3A_32 = tpu.memref_slice %arg4[%mul3A_30] : memref<81920xf32, #tpu.memory_space<hbm>> -> memref<2560xf32, #tpu.memory_space<hbm>>
      tpu.enqueue_dma source(%arg7 : memref<2560xf32, #tpu.memory_space<vmem>>) target(%dma_start3A_32 : memref<2560xf32, #tpu.memory_space<hbm>>) target_semaphore(%run_scoped3A : memref<!tpu.dma_semaphore, #tpu.memory_space<semaphore_mem>>)
      %dma_wait3A_33 = tpu.memref_slice %arg4[%mul3A_30] : memref<81920xf32, #tpu.memory_space<hbm>> -> memref<2560xf32, #tpu.memory_space<hbm>>
      %dma_wait3A_34 = tpu.memref_slice %arg4[%mul3A_30] : memref<81920xf32, #tpu.memory_space<hbm>> -> memref<2560xf32, #tpu.memory_space<hbm>>
      tpu.wait_dma2 semaphore(%run_scoped3A : memref<!tpu.dma_semaphore, #tpu.memory_space<semaphore_mem>>) src(%arg7 : memref<2560xf32, #tpu.memory_space<vmem>>) dst(%dma_wait3A_34 : memref<2560xf32, #tpu.memory_space<hbm>>)
      tpu.yield
    }) : () -> ()
    return
  }
}

module attributes {stable_mosaic.version = 14 : i64} {
  func.func @_sort_body(%arg0: i32, %arg1: memref<1x256x128xi32, #tpu.memory_space<vmem>>, %arg2: memref<1x40x128xi32, #tpu.memory_space<vmem>>) attributes {dimension_semantics = [#tpu.dimension_semantics<parallel>], iteration_bounds = array<i64: 4>, scalar_prefetch = 0 : i64, scratch_operands = 0 : i64, tpu.core_type = #tpu.core_type<tc>, window_params = [{transform_indices = @transform_0, window_bounds = array<i64: 1, 256, 128>}, {transform_indices = @transform_1, window_bounds = array<i64: 1, 40, 128>}]} {
    %iota3A = tpu.iota {dimensions = array<i32: 0>} : vector<160x128xi32>
    %iota3A_0 = tpu.iota {dimensions = array<i32: 1>} : vector<160x128xi32>
    %mul3A = arith.constant 128 : i32
    %mul3A_1 = vector.broadcast %mul3A : i32 to vector<160x128xi32>
    %mul3A_2 = arith.muli %iota3A, %mul3A_1 : vector<160x128xi32>
    %add3A = arith.addi %mul3A_2, %iota3A_0 : vector<160x128xi32>
    %get3A = arith.constant 0 : index
    %get3A_3 = arith.constant 0 : index
    %get3A_4 = arith.constant 0 : index
    %get3A_5 = vector.load %arg1[%get3A, %get3A_3, %get3A_4] : memref<1x256x128xi32, #tpu.memory_space<vmem>>, vector<1x256x128xi32>
    %get3A_6 = vector.shape_cast %get3A_5 : vector<1x256x128xi32> to vector<256x128xi32>
    %slice3A = vector.extract_strided_slice %get3A_6 {offsets = [0, 0], sizes = [160, 128], strides = [1, 1]} : vector<256x128xi32> to vector<160x128xi32>
    %while3A = arith.constant 2 : i32
    %while3A_7:3 = scf.while (%while3A_117 = %slice3A, %while3A_118 = %add3A, %while3A_119 = %while3A) : (vector<160x128xi32>, vector<160x128xi32>, i32) -> (vector<160x128xi32>, vector<160x128xi32>, i32) {
      %le3A = arith.constant 4096 : i32
      %le3A_120 = arith.cmpi sle, %while3A_119, %le3A : i32
      scf.condition(%le3A_120) %while3A_117, %while3A_118, %while3A_119 : vector<160x128xi32>, vector<160x128xi32>, i32
    } do {
    ^bb0(%while3A_117: vector<160x128xi32>, %while3A_118: vector<160x128xi32>, %while3A_119: i32):
      %shift_right_logical3A_120 = arith.constant 1 : i32
      %shift_right_logical3A_121 = arith.shrui %while3A_119, %shift_right_logical3A_120 : i32
      %while3A_122:3 = scf.while (%while3A_126 = %while3A_117, %while3A_127 = %while3A_118, %while3A_128 = %shift_right_logical3A_121) : (vector<160x128xi32>, vector<160x128xi32>, i32) -> (vector<160x128xi32>, vector<160x128xi32>, i32) {
        %ge3A = arith.constant 128 : i32
        %ge3A_129 = arith.cmpi sge, %while3A_128, %ge3A : i32
        scf.condition(%ge3A_129) %while3A_126, %while3A_127, %while3A_128 : vector<160x128xi32>, vector<160x128xi32>, i32
      } do {
      ^bb0(%while3A_126: vector<160x128xi32>, %while3A_127: vector<160x128xi32>, %while3A_128: i32):
        %shift_right_logical3A_129 = arith.constant 7 : i32
        %shift_right_logical3A_130 = arith.shrui %while3A_128, %shift_right_logical3A_129 : i32
        %sub3A_131 = arith.constant 160 : i32
        %sub3A_132 = arith.subi %sub3A_131, %shift_right_logical3A_130 : i32
        %roll3A_133 = tpu.dynamic_rotate %while3A_126 by %sub3A_132 dim 0 : vector<160x128xi32>, i32 -> vector<160x128xi32>
        %roll3A_134 = tpu.dynamic_rotate %while3A_126 by %shift_right_logical3A_130 dim 0 : vector<160x128xi32>, i32 -> vector<160x128xi32>
        %sub3A_135 = arith.constant 160 : i32
        %sub3A_136 = arith.subi %sub3A_135, %shift_right_logical3A_130 : i32
        %roll3A_137 = tpu.dynamic_rotate %while3A_127 by %sub3A_136 dim 0 : vector<160x128xi32>, i32 -> vector<160x128xi32>
        %roll3A_138 = tpu.dynamic_rotate %while3A_127 by %shift_right_logical3A_130 dim 0 : vector<160x128xi32>, i32 -> vector<160x128xi32>
        %and3A_139 = vector.broadcast %while3A_128 : i32 to vector<160x128xi32>
        %and3A_140 = arith.andi %add3A, %and3A_139 : vector<160x128xi32>
        %ne3A_141 = arith.constant 0 : i32
        %ne3A_142 = vector.broadcast %ne3A_141 : i32 to vector<160x128xi32>
        %ne3A_143 = arith.cmpi ne, %and3A_140, %ne3A_142 : vector<160x128xi32>
        %select_n3A_144 = arith.select %ne3A_143, %roll3A_134, %roll3A_133 : vector<160x128xi1>, vector<160x128xi32>
        %select_n3A_145 = arith.select %ne3A_143, %roll3A_138, %roll3A_137 : vector<160x128xi1>, vector<160x128xi32>
        %gt3A_146 = arith.cmpi sgt, %while3A_126, %select_n3A_144 : vector<160x128xi32>
        %eq3A_147 = arith.cmpi eq, %while3A_126, %select_n3A_144 : vector<160x128xi32>
        %lt3A_148 = arith.cmpi slt, %while3A_127, %select_n3A_145 : vector<160x128xi32>
        %and3A_149 = arith.andi %eq3A_147, %lt3A_148 : vector<160x128xi1>
        %or3A_150 = arith.ori %gt3A_146, %and3A_149 : vector<160x128xi1>
        %and3A_151 = vector.broadcast %while3A_119 : i32 to vector<160x128xi32>
        %and3A_152 = arith.andi %add3A, %and3A_151 : vector<160x128xi32>
        %ne3A_153 = arith.constant 0 : i32
        %ne3A_154 = vector.broadcast %ne3A_153 : i32 to vector<160x128xi32>
        %ne3A_155 = arith.cmpi ne, %and3A_152, %ne3A_154 : vector<160x128xi32>
        %ne3A_156 = arith.xori %or3A_150, %ne3A_143 : vector<160x128xi1>
        %ne3A_157 = arith.xori %ne3A_156, %ne3A_155 : vector<160x128xi1>
        %select_n3A_158 = arith.select %ne3A_157, %while3A_126, %select_n3A_144 : vector<160x128xi1>, vector<160x128xi32>
        %select_n3A_159 = arith.select %ne3A_157, %while3A_127, %select_n3A_145 : vector<160x128xi1>, vector<160x128xi32>
        %shift_right_logical3A_160 = arith.constant 1 : i32
        %shift_right_logical3A_161 = arith.shrui %while3A_128, %shift_right_logical3A_160 : i32
        scf.yield %select_n3A_158, %select_n3A_159, %shift_right_logical3A_161 : vector<160x128xi32>, vector<160x128xi32>, i32
      }
      %while3A_123:3 = scf.while (%while3A_126 = %while3A_122#0, %while3A_127 = %while3A_122#1, %while3A_128 = %while3A_122#2) : (vector<160x128xi32>, vector<160x128xi32>, i32) -> (vector<160x128xi32>, vector<160x128xi32>, i32) {
        %ge3A = arith.constant 1 : i32
        %ge3A_129 = arith.cmpi sge, %while3A_128, %ge3A : i32
        scf.condition(%ge3A_129) %while3A_126, %while3A_127, %while3A_128 : vector<160x128xi32>, vector<160x128xi32>, i32
      } do {
      ^bb0(%while3A_126: vector<160x128xi32>, %while3A_127: vector<160x128xi32>, %while3A_128: i32):
        %sub3A_129 = arith.constant 128 : i32
        %sub3A_130 = arith.subi %sub3A_129, %while3A_128 : i32
        %roll3A_131 = tpu.dynamic_rotate %while3A_126 by %sub3A_130 dim 1 : vector<160x128xi32>, i32 -> vector<160x128xi32>
        %roll3A_132 = tpu.dynamic_rotate %while3A_126 by %while3A_128 dim 1 : vector<160x128xi32>, i32 -> vector<160x128xi32>
        %sub3A_133 = arith.constant 128 : i32
        %sub3A_134 = arith.subi %sub3A_133, %while3A_128 : i32
        %roll3A_135 = tpu.dynamic_rotate %while3A_127 by %sub3A_134 dim 1 : vector<160x128xi32>, i32 -> vector<160x128xi32>
        %roll3A_136 = tpu.dynamic_rotate %while3A_127 by %while3A_128 dim 1 : vector<160x128xi32>, i32 -> vector<160x128xi32>
        %and3A_137 = vector.broadcast %while3A_128 : i32 to vector<160x128xi32>
        %and3A_138 = arith.andi %add3A, %and3A_137 : vector<160x128xi32>
        %ne3A_139 = arith.constant 0 : i32
        %ne3A_140 = vector.broadcast %ne3A_139 : i32 to vector<160x128xi32>
        %ne3A_141 = arith.cmpi ne, %and3A_138, %ne3A_140 : vector<160x128xi32>
        %select_n3A_142 = arith.select %ne3A_141, %roll3A_132, %roll3A_131 : vector<160x128xi1>, vector<160x128xi32>
        %select_n3A_143 = arith.select %ne3A_141, %roll3A_136, %roll3A_135 : vector<160x128xi1>, vector<160x128xi32>
        %gt3A_144 = arith.cmpi sgt, %while3A_126, %select_n3A_142 : vector<160x128xi32>
        %eq3A_145 = arith.cmpi eq, %while3A_126, %select_n3A_142 : vector<160x128xi32>
        %lt3A_146 = arith.cmpi slt, %while3A_127, %select_n3A_143 : vector<160x128xi32>
        %and3A_147 = arith.andi %eq3A_145, %lt3A_146 : vector<160x128xi1>
        %or3A_148 = arith.ori %gt3A_144, %and3A_147 : vector<160x128xi1>
        %and3A_149 = vector.broadcast %while3A_119 : i32 to vector<160x128xi32>
        %and3A_150 = arith.andi %add3A, %and3A_149 : vector<160x128xi32>
        %ne3A_151 = arith.constant 0 : i32
        %ne3A_152 = vector.broadcast %ne3A_151 : i32 to vector<160x128xi32>
        %ne3A_153 = arith.cmpi ne, %and3A_150, %ne3A_152 : vector<160x128xi32>
        %ne3A_154 = arith.xori %or3A_148, %ne3A_141 : vector<160x128xi1>
        %ne3A_155 = arith.xori %ne3A_154, %ne3A_153 : vector<160x128xi1>
        %select_n3A_156 = arith.select %ne3A_155, %while3A_126, %select_n3A_142 : vector<160x128xi1>, vector<160x128xi32>
        %select_n3A_157 = arith.select %ne3A_155, %while3A_127, %select_n3A_143 : vector<160x128xi1>, vector<160x128xi32>
        %shift_right_logical3A_158 = arith.constant 1 : i32
        %shift_right_logical3A_159 = arith.shrui %while3A_128, %shift_right_logical3A_158 : i32
        scf.yield %select_n3A_156, %select_n3A_157, %shift_right_logical3A_159 : vector<160x128xi32>, vector<160x128xi32>, i32
      }
      %mul3A_124 = arith.constant 2 : i32
      %mul3A_125 = arith.muli %while3A_119, %mul3A_124 : i32
      scf.yield %while3A_123#0, %while3A_123#1, %mul3A_125 : vector<160x128xi32>, vector<160x128xi32>, i32
    }
    %iota3A_8 = tpu.iota {dimensions = array<i32: 0>} : vector<256x128xi32>
    %iota3A_9 = tpu.iota {dimensions = array<i32: 1>} : vector<256x128xi32>
    %mul3A_10 = arith.constant 128 : i32
    %mul3A_11 = vector.broadcast %mul3A_10 : i32 to vector<256x128xi32>
    %mul3A_12 = arith.muli %iota3A_8, %mul3A_11 : vector<256x128xi32>
    %add3A_13 = arith.addi %mul3A_12, %iota3A_9 : vector<256x128xi32>
    %get3A_14 = arith.constant 0 : index
    %get3A_15 = arith.constant 0 : index
    %get3A_16 = arith.constant 0 : index
    %get3A_17 = vector.load %arg1[%get3A_14, %get3A_15, %get3A_16] : memref<1x256x128xi32, #tpu.memory_space<vmem>>, vector<1x256x128xi32>
    %get3A_18 = vector.shape_cast %get3A_17 : vector<1x256x128xi32> to vector<256x128xi32>
    %slice3A_19 = vector.extract_strided_slice %get3A_18 {offsets = [160, 0], sizes = [96, 128], strides = [1, 1]} : vector<256x128xi32> to vector<96x128xi32>
    %concatenate3A = tpu.concatenate %while3A_7#0, %slice3A_19 in 0 : vector<160x128xi32>, vector<96x128xi32> -> vector<256x128xi32>
    %slice3A_20 = vector.extract_strided_slice %add3A_13 {offsets = [160, 0], sizes = [96, 128], strides = [1, 1]} : vector<256x128xi32> to vector<96x128xi32>
    %concatenate3A_21 = tpu.concatenate %while3A_7#1, %slice3A_20 in 0 : vector<160x128xi32>, vector<96x128xi32> -> vector<256x128xi32>
    %while3A_22 = arith.constant 8192 : i32
    %while3A_23 = arith.constant 4096 : i32
    %while3A_24:3 = scf.while (%while3A_117 = %concatenate3A, %while3A_118 = %concatenate3A_21, %while3A_119 = %while3A_23) : (vector<256x128xi32>, vector<256x128xi32>, i32) -> (vector<256x128xi32>, vector<256x128xi32>, i32) {
      %ge3A = arith.constant 128 : i32
      %ge3A_120 = arith.cmpi sge, %while3A_119, %ge3A : i32
      scf.condition(%ge3A_120) %while3A_117, %while3A_118, %while3A_119 : vector<256x128xi32>, vector<256x128xi32>, i32
    } do {
    ^bb0(%while3A_117: vector<256x128xi32>, %while3A_118: vector<256x128xi32>, %while3A_119: i32):
      %shift_right_logical3A_120 = arith.constant 7 : i32
      %shift_right_logical3A_121 = arith.shrui %while3A_119, %shift_right_logical3A_120 : i32
      %sub3A_122 = arith.constant 256 : i32
      %sub3A_123 = arith.subi %sub3A_122, %shift_right_logical3A_121 : i32
      %roll3A_124 = tpu.dynamic_rotate %while3A_117 by %sub3A_123 dim 0 : vector<256x128xi32>, i32 -> vector<256x128xi32>
      %roll3A_125 = tpu.dynamic_rotate %while3A_117 by %shift_right_logical3A_121 dim 0 : vector<256x128xi32>, i32 -> vector<256x128xi32>
      %sub3A_126 = arith.constant 256 : i32
      %sub3A_127 = arith.subi %sub3A_126, %shift_right_logical3A_121 : i32
      %roll3A_128 = tpu.dynamic_rotate %while3A_118 by %sub3A_127 dim 0 : vector<256x128xi32>, i32 -> vector<256x128xi32>
      %roll3A_129 = tpu.dynamic_rotate %while3A_118 by %shift_right_logical3A_121 dim 0 : vector<256x128xi32>, i32 -> vector<256x128xi32>
      %and3A_130 = vector.broadcast %while3A_119 : i32 to vector<256x128xi32>
      %and3A_131 = arith.andi %add3A_13, %and3A_130 : vector<256x128xi32>
      %ne3A_132 = arith.constant 0 : i32
      %ne3A_133 = vector.broadcast %ne3A_132 : i32 to vector<256x128xi32>
      %ne3A_134 = arith.cmpi ne, %and3A_131, %ne3A_133 : vector<256x128xi32>
      %select_n3A_135 = arith.select %ne3A_134, %roll3A_125, %roll3A_124 : vector<256x128xi1>, vector<256x128xi32>
      %select_n3A_136 = arith.select %ne3A_134, %roll3A_129, %roll3A_128 : vector<256x128xi1>, vector<256x128xi32>
      %gt3A_137 = arith.cmpi sgt, %while3A_117, %select_n3A_135 : vector<256x128xi32>
      %eq3A_138 = arith.cmpi eq, %while3A_117, %select_n3A_135 : vector<256x128xi32>
      %lt3A_139 = arith.cmpi slt, %while3A_118, %select_n3A_136 : vector<256x128xi32>
      %and3A_140 = arith.andi %eq3A_138, %lt3A_139 : vector<256x128xi1>
      %or3A_141 = arith.ori %gt3A_137, %and3A_140 : vector<256x128xi1>
      %and3A_142 = vector.broadcast %while3A_22 : i32 to vector<256x128xi32>
      %and3A_143 = arith.andi %add3A_13, %and3A_142 : vector<256x128xi32>
      %ne3A_144 = arith.constant 0 : i32
      %ne3A_145 = vector.broadcast %ne3A_144 : i32 to vector<256x128xi32>
      %ne3A_146 = arith.cmpi ne, %and3A_143, %ne3A_145 : vector<256x128xi32>
      %ne3A_147 = arith.xori %or3A_141, %ne3A_134 : vector<256x128xi1>
      %ne3A_148 = arith.xori %ne3A_147, %ne3A_146 : vector<256x128xi1>
      %select_n3A_149 = arith.select %ne3A_148, %while3A_117, %select_n3A_135 : vector<256x128xi1>, vector<256x128xi32>
      %select_n3A_150 = arith.select %ne3A_148, %while3A_118, %select_n3A_136 : vector<256x128xi1>, vector<256x128xi32>
      %shift_right_logical3A_151 = arith.constant 1 : i32
      %shift_right_logical3A_152 = arith.shrui %while3A_119, %shift_right_logical3A_151 : i32
      scf.yield %select_n3A_149, %select_n3A_150, %shift_right_logical3A_152 : vector<256x128xi32>, vector<256x128xi32>, i32
    }
    %while3A_25 = arith.constant 8192 : i32
    %while3A_26:3 = scf.while (%while3A_117 = %while3A_24#0, %while3A_118 = %while3A_24#1, %while3A_119 = %while3A_24#2) : (vector<256x128xi32>, vector<256x128xi32>, i32) -> (vector<256x128xi32>, vector<256x128xi32>, i32) {
      %ge3A = arith.constant 1 : i32
      %ge3A_120 = arith.cmpi sge, %while3A_119, %ge3A : i32
      scf.condition(%ge3A_120) %while3A_117, %while3A_118, %while3A_119 : vector<256x128xi32>, vector<256x128xi32>, i32
    } do {
    ^bb0(%while3A_117: vector<256x128xi32>, %while3A_118: vector<256x128xi32>, %while3A_119: i32):
      %sub3A_120 = arith.constant 128 : i32
      %sub3A_121 = arith.subi %sub3A_120, %while3A_119 : i32
      %roll3A_122 = tpu.dynamic_rotate %while3A_117 by %sub3A_121 dim 1 : vector<256x128xi32>, i32 -> vector<256x128xi32>
      %roll3A_123 = tpu.dynamic_rotate %while3A_117 by %while3A_119 dim 1 : vector<256x128xi32>, i32 -> vector<256x128xi32>
      %sub3A_124 = arith.constant 128 : i32
      %sub3A_125 = arith.subi %sub3A_124, %while3A_119 : i32
      %roll3A_126 = tpu.dynamic_rotate %while3A_118 by %sub3A_125 dim 1 : vector<256x128xi32>, i32 -> vector<256x128xi32>
      %roll3A_127 = tpu.dynamic_rotate %while3A_118 by %while3A_119 dim 1 : vector<256x128xi32>, i32 -> vector<256x128xi32>
      %and3A_128 = vector.broadcast %while3A_119 : i32 to vector<256x128xi32>
      %and3A_129 = arith.andi %add3A_13, %and3A_128 : vector<256x128xi32>
      %ne3A_130 = arith.constant 0 : i32
      %ne3A_131 = vector.broadcast %ne3A_130 : i32 to vector<256x128xi32>
      %ne3A_132 = arith.cmpi ne, %and3A_129, %ne3A_131 : vector<256x128xi32>
      %select_n3A_133 = arith.select %ne3A_132, %roll3A_123, %roll3A_122 : vector<256x128xi1>, vector<256x128xi32>
      %select_n3A_134 = arith.select %ne3A_132, %roll3A_127, %roll3A_126 : vector<256x128xi1>, vector<256x128xi32>
      %gt3A_135 = arith.cmpi sgt, %while3A_117, %select_n3A_133 : vector<256x128xi32>
      %eq3A_136 = arith.cmpi eq, %while3A_117, %select_n3A_133 : vector<256x128xi32>
      %lt3A_137 = arith.cmpi slt, %while3A_118, %select_n3A_134 : vector<256x128xi32>
      %and3A_138 = arith.andi %eq3A_136, %lt3A_137 : vector<256x128xi1>
      %or3A_139 = arith.ori %gt3A_135, %and3A_138 : vector<256x128xi1>
      %and3A_140 = vector.broadcast %while3A_25 : i32 to vector<256x128xi32>
      %and3A_141 = arith.andi %add3A_13, %and3A_140 : vector<256x128xi32>
      %ne3A_142 = arith.constant 0 : i32
      %ne3A_143 = vector.broadcast %ne3A_142 : i32 to vector<256x128xi32>
      %ne3A_144 = arith.cmpi ne, %and3A_141, %ne3A_143 : vector<256x128xi32>
      %ne3A_145 = arith.xori %or3A_139, %ne3A_132 : vector<256x128xi1>
      %ne3A_146 = arith.xori %ne3A_145, %ne3A_144 : vector<256x128xi1>
      %select_n3A_147 = arith.select %ne3A_146, %while3A_117, %select_n3A_133 : vector<256x128xi1>, vector<256x128xi32>
      %select_n3A_148 = arith.select %ne3A_146, %while3A_118, %select_n3A_134 : vector<256x128xi1>, vector<256x128xi32>
      %shift_right_logical3A_149 = arith.constant 1 : i32
      %shift_right_logical3A_150 = arith.shrui %while3A_119, %shift_right_logical3A_149 : i32
      scf.yield %select_n3A_147, %select_n3A_148, %shift_right_logical3A_150 : vector<256x128xi32>, vector<256x128xi32>, i32
    }
    %while3A_27 = arith.constant 16384 : i32
    %while3A_28 = arith.constant 8192 : i32
    %while3A_29:3 = scf.while (%while3A_117 = %while3A_26#0, %while3A_118 = %while3A_26#1, %while3A_119 = %while3A_28) : (vector<256x128xi32>, vector<256x128xi32>, i32) -> (vector<256x128xi32>, vector<256x128xi32>, i32) {
      %ge3A = arith.constant 128 : i32
      %ge3A_120 = arith.cmpi sge, %while3A_119, %ge3A : i32
      scf.condition(%ge3A_120) %while3A_117, %while3A_118, %while3A_119 : vector<256x128xi32>, vector<256x128xi32>, i32
    } do {
    ^bb0(%while3A_117: vector<256x128xi32>, %while3A_118: vector<256x128xi32>, %while3A_119: i32):
      %shift_right_logical3A_120 = arith.constant 7 : i32
      %shift_right_logical3A_121 = arith.shrui %while3A_119, %shift_right_logical3A_120 : i32
      %sub3A_122 = arith.constant 256 : i32
      %sub3A_123 = arith.subi %sub3A_122, %shift_right_logical3A_121 : i32
      %roll3A_124 = tpu.dynamic_rotate %while3A_117 by %sub3A_123 dim 0 : vector<256x128xi32>, i32 -> vector<256x128xi32>
      %roll3A_125 = tpu.dynamic_rotate %while3A_117 by %shift_right_logical3A_121 dim 0 : vector<256x128xi32>, i32 -> vector<256x128xi32>
      %sub3A_126 = arith.constant 256 : i32
      %sub3A_127 = arith.subi %sub3A_126, %shift_right_logical3A_121 : i32
      %roll3A_128 = tpu.dynamic_rotate %while3A_118 by %sub3A_127 dim 0 : vector<256x128xi32>, i32 -> vector<256x128xi32>
      %roll3A_129 = tpu.dynamic_rotate %while3A_118 by %shift_right_logical3A_121 dim 0 : vector<256x128xi32>, i32 -> vector<256x128xi32>
      %and3A_130 = vector.broadcast %while3A_119 : i32 to vector<256x128xi32>
      %and3A_131 = arith.andi %add3A_13, %and3A_130 : vector<256x128xi32>
      %ne3A_132 = arith.constant 0 : i32
      %ne3A_133 = vector.broadcast %ne3A_132 : i32 to vector<256x128xi32>
      %ne3A_134 = arith.cmpi ne, %and3A_131, %ne3A_133 : vector<256x128xi32>
      %select_n3A_135 = arith.select %ne3A_134, %roll3A_125, %roll3A_124 : vector<256x128xi1>, vector<256x128xi32>
      %select_n3A_136 = arith.select %ne3A_134, %roll3A_129, %roll3A_128 : vector<256x128xi1>, vector<256x128xi32>
      %gt3A_137 = arith.cmpi sgt, %while3A_117, %select_n3A_135 : vector<256x128xi32>
      %eq3A_138 = arith.cmpi eq, %while3A_117, %select_n3A_135 : vector<256x128xi32>
      %lt3A_139 = arith.cmpi slt, %while3A_118, %select_n3A_136 : vector<256x128xi32>
      %and3A_140 = arith.andi %eq3A_138, %lt3A_139 : vector<256x128xi1>
      %or3A_141 = arith.ori %gt3A_137, %and3A_140 : vector<256x128xi1>
      %and3A_142 = vector.broadcast %while3A_27 : i32 to vector<256x128xi32>
      %and3A_143 = arith.andi %add3A_13, %and3A_142 : vector<256x128xi32>
      %ne3A_144 = arith.constant 0 : i32
      %ne3A_145 = vector.broadcast %ne3A_144 : i32 to vector<256x128xi32>
      %ne3A_146 = arith.cmpi ne, %and3A_143, %ne3A_145 : vector<256x128xi32>
      %ne3A_147 = arith.xori %or3A_141, %ne3A_134 : vector<256x128xi1>
      %ne3A_148 = arith.xori %ne3A_147, %ne3A_146 : vector<256x128xi1>
      %select_n3A_149 = arith.select %ne3A_148, %while3A_117, %select_n3A_135 : vector<256x128xi1>, vector<256x128xi32>
      %select_n3A_150 = arith.select %ne3A_148, %while3A_118, %select_n3A_136 : vector<256x128xi1>, vector<256x128xi32>
      %shift_right_logical3A_151 = arith.constant 1 : i32
      %shift_right_logical3A_152 = arith.shrui %while3A_119, %shift_right_logical3A_151 : i32
      scf.yield %select_n3A_149, %select_n3A_150, %shift_right_logical3A_152 : vector<256x128xi32>, vector<256x128xi32>, i32
    }
    %while3A_30 = arith.constant 16384 : i32
    %while3A_31:3 = scf.while (%while3A_117 = %while3A_29#0, %while3A_118 = %while3A_29#1, %while3A_119 = %while3A_29#2) : (vector<256x128xi32>, vector<256x128xi32>, i32) -> (vector<256x128xi32>, vector<256x128xi32>, i32) {
      %ge3A = arith.constant 1 : i32
      %ge3A_120 = arith.cmpi sge, %while3A_119, %ge3A : i32
      scf.condition(%ge3A_120) %while3A_117, %while3A_118, %while3A_119 : vector<256x128xi32>, vector<256x128xi32>, i32
    } do {
    ^bb0(%while3A_117: vector<256x128xi32>, %while3A_118: vector<256x128xi32>, %while3A_119: i32):
      %sub3A_120 = arith.constant 128 : i32
      %sub3A_121 = arith.subi %sub3A_120, %while3A_119 : i32
      %roll3A_122 = tpu.dynamic_rotate %while3A_117 by %sub3A_121 dim 1 : vector<256x128xi32>, i32 -> vector<256x128xi32>
      %roll3A_123 = tpu.dynamic_rotate %while3A_117 by %while3A_119 dim 1 : vector<256x128xi32>, i32 -> vector<256x128xi32>
      %sub3A_124 = arith.constant 128 : i32
      %sub3A_125 = arith.subi %sub3A_124, %while3A_119 : i32
      %roll3A_126 = tpu.dynamic_rotate %while3A_118 by %sub3A_125 dim 1 : vector<256x128xi32>, i32 -> vector<256x128xi32>
      %roll3A_127 = tpu.dynamic_rotate %while3A_118 by %while3A_119 dim 1 : vector<256x128xi32>, i32 -> vector<256x128xi32>
      %and3A_128 = vector.broadcast %while3A_119 : i32 to vector<256x128xi32>
      %and3A_129 = arith.andi %add3A_13, %and3A_128 : vector<256x128xi32>
      %ne3A_130 = arith.constant 0 : i32
      %ne3A_131 = vector.broadcast %ne3A_130 : i32 to vector<256x128xi32>
      %ne3A_132 = arith.cmpi ne, %and3A_129, %ne3A_131 : vector<256x128xi32>
      %select_n3A_133 = arith.select %ne3A_132, %roll3A_123, %roll3A_122 : vector<256x128xi1>, vector<256x128xi32>
      %select_n3A_134 = arith.select %ne3A_132, %roll3A_127, %roll3A_126 : vector<256x128xi1>, vector<256x128xi32>
      %gt3A_135 = arith.cmpi sgt, %while3A_117, %select_n3A_133 : vector<256x128xi32>
      %eq3A_136 = arith.cmpi eq, %while3A_117, %select_n3A_133 : vector<256x128xi32>
      %lt3A_137 = arith.cmpi slt, %while3A_118, %select_n3A_134 : vector<256x128xi32>
      %and3A_138 = arith.andi %eq3A_136, %lt3A_137 : vector<256x128xi1>
      %or3A_139 = arith.ori %gt3A_135, %and3A_138 : vector<256x128xi1>
      %and3A_140 = vector.broadcast %while3A_30 : i32 to vector<256x128xi32>
      %and3A_141 = arith.andi %add3A_13, %and3A_140 : vector<256x128xi32>
      %ne3A_142 = arith.constant 0 : i32
      %ne3A_143 = vector.broadcast %ne3A_142 : i32 to vector<256x128xi32>
      %ne3A_144 = arith.cmpi ne, %and3A_141, %ne3A_143 : vector<256x128xi32>
      %ne3A_145 = arith.xori %or3A_139, %ne3A_132 : vector<256x128xi1>
      %ne3A_146 = arith.xori %ne3A_145, %ne3A_144 : vector<256x128xi1>
      %select_n3A_147 = arith.select %ne3A_146, %while3A_117, %select_n3A_133 : vector<256x128xi1>, vector<256x128xi32>
      %select_n3A_148 = arith.select %ne3A_146, %while3A_118, %select_n3A_134 : vector<256x128xi1>, vector<256x128xi32>
      %shift_right_logical3A_149 = arith.constant 1 : i32
      %shift_right_logical3A_150 = arith.shrui %while3A_119, %shift_right_logical3A_149 : i32
      scf.yield %select_n3A_147, %select_n3A_148, %shift_right_logical3A_150 : vector<256x128xi32>, vector<256x128xi32>, i32
    }
    %shift_right_logical3A = arith.constant 16384 : i32
    %shift_right_logical3A_32 = arith.constant 7 : i32
    %shift_right_logical3A_33 = arith.shrui %shift_right_logical3A, %shift_right_logical3A_32 : i32
    %sub3A = arith.constant 256 : i32
    %sub3A_34 = arith.subi %sub3A, %shift_right_logical3A_33 : i32
    %roll3A = tpu.dynamic_rotate %while3A_31#0 by %sub3A_34 dim 0 : vector<256x128xi32>, i32 -> vector<256x128xi32>
    %roll3A_35 = tpu.dynamic_rotate %while3A_31#0 by %shift_right_logical3A_33 dim 0 : vector<256x128xi32>, i32 -> vector<256x128xi32>
    %sub3A_36 = arith.constant 256 : i32
    %sub3A_37 = arith.subi %sub3A_36, %shift_right_logical3A_33 : i32
    %roll3A_38 = tpu.dynamic_rotate %while3A_31#1 by %sub3A_37 dim 0 : vector<256x128xi32>, i32 -> vector<256x128xi32>
    %roll3A_39 = tpu.dynamic_rotate %while3A_31#1 by %shift_right_logical3A_33 dim 0 : vector<256x128xi32>, i32 -> vector<256x128xi32>
    %and3A = arith.constant 16384 : i32
    %and3A_40 = vector.broadcast %and3A : i32 to vector<256x128xi32>
    %and3A_41 = arith.andi %add3A_13, %and3A_40 : vector<256x128xi32>
    %ne3A = arith.constant 0 : i32
    %ne3A_42 = vector.broadcast %ne3A : i32 to vector<256x128xi32>
    %ne3A_43 = arith.cmpi ne, %and3A_41, %ne3A_42 : vector<256x128xi32>
    %select_n3A = arith.select %ne3A_43, %roll3A_35, %roll3A : vector<256x128xi1>, vector<256x128xi32>
    %select_n3A_44 = arith.select %ne3A_43, %roll3A_39, %roll3A_38 : vector<256x128xi1>, vector<256x128xi32>
    %gt3A = arith.cmpi sgt, %while3A_31#0, %select_n3A : vector<256x128xi32>
    %eq3A = arith.cmpi eq, %while3A_31#0, %select_n3A : vector<256x128xi32>
    %lt3A = arith.cmpi slt, %while3A_31#1, %select_n3A_44 : vector<256x128xi32>
    %and3A_45 = arith.andi %eq3A, %lt3A : vector<256x128xi1>
    %or3A = arith.ori %gt3A, %and3A_45 : vector<256x128xi1>
    %and3A_46 = arith.constant 32768 : i32
    %and3A_47 = vector.broadcast %and3A_46 : i32 to vector<256x128xi32>
    %and3A_48 = arith.andi %add3A_13, %and3A_47 : vector<256x128xi32>
    %ne3A_49 = arith.constant 0 : i32
    %ne3A_50 = vector.broadcast %ne3A_49 : i32 to vector<256x128xi32>
    %ne3A_51 = arith.cmpi ne, %and3A_48, %ne3A_50 : vector<256x128xi32>
    %ne3A_52 = arith.xori %or3A, %ne3A_43 : vector<256x128xi1>
    %ne3A_53 = arith.xori %ne3A_52, %ne3A_51 : vector<256x128xi1>
    %select_n3A_54 = arith.select %ne3A_53, %while3A_31#0, %select_n3A : vector<256x128xi1>, vector<256x128xi32>
    %select_n3A_55 = arith.select %ne3A_53, %while3A_31#1, %select_n3A_44 : vector<256x128xi1>, vector<256x128xi32>
    %slice3A_56 = vector.extract_strided_slice %select_n3A_54 {offsets = [0, 0], sizes = [128, 128], strides = [1, 1]} : vector<256x128xi32> to vector<128x128xi32>
    %slice3A_57 = vector.extract_strided_slice %select_n3A_55 {offsets = [0, 0], sizes = [128, 128], strides = [1, 1]} : vector<256x128xi32> to vector<128x128xi32>
    %iota3A_58 = tpu.iota {dimensions = array<i32: 0>} : vector<128x128xi32>
    %iota3A_59 = tpu.iota {dimensions = array<i32: 1>} : vector<128x128xi32>
    %mul3A_60 = arith.constant 128 : i32
    %mul3A_61 = vector.broadcast %mul3A_60 : i32 to vector<128x128xi32>
    %mul3A_62 = arith.muli %iota3A_58, %mul3A_61 : vector<128x128xi32>
    %add3A_63 = arith.addi %mul3A_62, %iota3A_59 : vector<128x128xi32>
    %shift_right_logical3A_64 = arith.constant 8192 : i32
    %shift_right_logical3A_65 = arith.constant 7 : i32
    %shift_right_logical3A_66 = arith.shrui %shift_right_logical3A_64, %shift_right_logical3A_65 : i32
    %sub3A_67 = arith.constant 128 : i32
    %sub3A_68 = arith.subi %sub3A_67, %shift_right_logical3A_66 : i32
    %roll3A_69 = tpu.dynamic_rotate %slice3A_56 by %sub3A_68 dim 0 : vector<128x128xi32>, i32 -> vector<128x128xi32>
    %roll3A_70 = tpu.dynamic_rotate %slice3A_56 by %shift_right_logical3A_66 dim 0 : vector<128x128xi32>, i32 -> vector<128x128xi32>
    %sub3A_71 = arith.constant 128 : i32
    %sub3A_72 = arith.subi %sub3A_71, %shift_right_logical3A_66 : i32
    %roll3A_73 = tpu.dynamic_rotate %slice3A_57 by %sub3A_72 dim 0 : vector<128x128xi32>, i32 -> vector<128x128xi32>
    %roll3A_74 = tpu.dynamic_rotate %slice3A_57 by %shift_right_logical3A_66 dim 0 : vector<128x128xi32>, i32 -> vector<128x128xi32>
    %and3A_75 = arith.constant 8192 : i32
    %and3A_76 = vector.broadcast %and3A_75 : i32 to vector<128x128xi32>
    %and3A_77 = arith.andi %add3A_63, %and3A_76 : vector<128x128xi32>
    %ne3A_78 = arith.constant 0 : i32
    %ne3A_79 = vector.broadcast %ne3A_78 : i32 to vector<128x128xi32>
    %ne3A_80 = arith.cmpi ne, %and3A_77, %ne3A_79 : vector<128x128xi32>
    %select_n3A_81 = arith.select %ne3A_80, %roll3A_70, %roll3A_69 : vector<128x128xi1>, vector<128x128xi32>
    %select_n3A_82 = arith.select %ne3A_80, %roll3A_74, %roll3A_73 : vector<128x128xi1>, vector<128x128xi32>
    %gt3A_83 = arith.cmpi sgt, %slice3A_56, %select_n3A_81 : vector<128x128xi32>
    %eq3A_84 = arith.cmpi eq, %slice3A_56, %select_n3A_81 : vector<128x128xi32>
    %lt3A_85 = arith.cmpi slt, %slice3A_57, %select_n3A_82 : vector<128x128xi32>
    %and3A_86 = arith.andi %eq3A_84, %lt3A_85 : vector<128x128xi1>
    %or3A_87 = arith.ori %gt3A_83, %and3A_86 : vector<128x128xi1>
    %and3A_88 = arith.constant 32768 : i32
    %and3A_89 = vector.broadcast %and3A_88 : i32 to vector<128x128xi32>
    %and3A_90 = arith.andi %add3A_63, %and3A_89 : vector<128x128xi32>
    %ne3A_91 = arith.constant 0 : i32
    %ne3A_92 = vector.broadcast %ne3A_91 : i32 to vector<128x128xi32>
    %ne3A_93 = arith.cmpi ne, %and3A_90, %ne3A_92 : vector<128x128xi32>
    %ne3A_94 = arith.xori %or3A_87, %ne3A_80 : vector<128x128xi1>
    %ne3A_95 = arith.xori %ne3A_94, %ne3A_93 : vector<128x128xi1>
    %select_n3A_96 = arith.select %ne3A_95, %slice3A_56, %select_n3A_81 : vector<128x128xi1>, vector<128x128xi32>
    %select_n3A_97 = arith.select %ne3A_95, %slice3A_57, %select_n3A_82 : vector<128x128xi1>, vector<128x128xi32>
    %slice3A_98 = vector.extract_strided_slice %select_n3A_96 {offsets = [0, 0], sizes = [64, 128], strides = [1, 1]} : vector<128x128xi32> to vector<64x128xi32>
    %slice3A_99 = vector.extract_strided_slice %select_n3A_97 {offsets = [0, 0], sizes = [64, 128], strides = [1, 1]} : vector<128x128xi32> to vector<64x128xi32>
    %iota3A_100 = tpu.iota {dimensions = array<i32: 0>} : vector<64x128xi32>
    %iota3A_101 = tpu.iota {dimensions = array<i32: 1>} : vector<64x128xi32>
    %mul3A_102 = arith.constant 128 : i32
    %mul3A_103 = vector.broadcast %mul3A_102 : i32 to vector<64x128xi32>
    %mul3A_104 = arith.muli %iota3A_100, %mul3A_103 : vector<64x128xi32>
    %add3A_105 = arith.addi %mul3A_104, %iota3A_101 : vector<64x128xi32>
    %while3A_106 = arith.constant 32768 : i32
    %while3A_107 = arith.constant 4096 : i32
    %while3A_108:3 = scf.while (%while3A_117 = %slice3A_98, %while3A_118 = %slice3A_99, %while3A_119 = %while3A_107) : (vector<64x128xi32>, vector<64x128xi32>, i32) -> (vector<64x128xi32>, vector<64x128xi32>, i32) {
      %ge3A = arith.constant 128 : i32
      %ge3A_120 = arith.cmpi sge, %while3A_119, %ge3A : i32
      scf.condition(%ge3A_120) %while3A_117, %while3A_118, %while3A_119 : vector<64x128xi32>, vector<64x128xi32>, i32
    } do {
    ^bb0(%while3A_117: vector<64x128xi32>, %while3A_118: vector<64x128xi32>, %while3A_119: i32):
      %shift_right_logical3A_120 = arith.constant 7 : i32
      %shift_right_logical3A_121 = arith.shrui %while3A_119, %shift_right_logical3A_120 : i32
      %sub3A_122 = arith.constant 64 : i32
      %sub3A_123 = arith.subi %sub3A_122, %shift_right_logical3A_121 : i32
      %roll3A_124 = tpu.dynamic_rotate %while3A_117 by %sub3A_123 dim 0 : vector<64x128xi32>, i32 -> vector<64x128xi32>
      %roll3A_125 = tpu.dynamic_rotate %while3A_117 by %shift_right_logical3A_121 dim 0 : vector<64x128xi32>, i32 -> vector<64x128xi32>
      %sub3A_126 = arith.constant 64 : i32
      %sub3A_127 = arith.subi %sub3A_126, %shift_right_logical3A_121 : i32
      %roll3A_128 = tpu.dynamic_rotate %while3A_118 by %sub3A_127 dim 0 : vector<64x128xi32>, i32 -> vector<64x128xi32>
      %roll3A_129 = tpu.dynamic_rotate %while3A_118 by %shift_right_logical3A_121 dim 0 : vector<64x128xi32>, i32 -> vector<64x128xi32>
      %and3A_130 = vector.broadcast %while3A_119 : i32 to vector<64x128xi32>
      %and3A_131 = arith.andi %add3A_105, %and3A_130 : vector<64x128xi32>
      %ne3A_132 = arith.constant 0 : i32
      %ne3A_133 = vector.broadcast %ne3A_132 : i32 to vector<64x128xi32>
      %ne3A_134 = arith.cmpi ne, %and3A_131, %ne3A_133 : vector<64x128xi32>
      %select_n3A_135 = arith.select %ne3A_134, %roll3A_125, %roll3A_124 : vector<64x128xi1>, vector<64x128xi32>
      %select_n3A_136 = arith.select %ne3A_134, %roll3A_129, %roll3A_128 : vector<64x128xi1>, vector<64x128xi32>
      %gt3A_137 = arith.cmpi sgt, %while3A_117, %select_n3A_135 : vector<64x128xi32>
      %eq3A_138 = arith.cmpi eq, %while3A_117, %select_n3A_135 : vector<64x128xi32>
      %lt3A_139 = arith.cmpi slt, %while3A_118, %select_n3A_136 : vector<64x128xi32>
      %and3A_140 = arith.andi %eq3A_138, %lt3A_139 : vector<64x128xi1>
      %or3A_141 = arith.ori %gt3A_137, %and3A_140 : vector<64x128xi1>
      %and3A_142 = vector.broadcast %while3A_106 : i32 to vector<64x128xi32>
      %and3A_143 = arith.andi %add3A_105, %and3A_142 : vector<64x128xi32>
      %ne3A_144 = arith.constant 0 : i32
      %ne3A_145 = vector.broadcast %ne3A_144 : i32 to vector<64x128xi32>
      %ne3A_146 = arith.cmpi ne, %and3A_143, %ne3A_145 : vector<64x128xi32>
      %ne3A_147 = arith.xori %or3A_141, %ne3A_134 : vector<64x128xi1>
      %ne3A_148 = arith.xori %ne3A_147, %ne3A_146 : vector<64x128xi1>
      %select_n3A_149 = arith.select %ne3A_148, %while3A_117, %select_n3A_135 : vector<64x128xi1>, vector<64x128xi32>
      %select_n3A_150 = arith.select %ne3A_148, %while3A_118, %select_n3A_136 : vector<64x128xi1>, vector<64x128xi32>
      %shift_right_logical3A_151 = arith.constant 1 : i32
      %shift_right_logical3A_152 = arith.shrui %while3A_119, %shift_right_logical3A_151 : i32
      scf.yield %select_n3A_149, %select_n3A_150, %shift_right_logical3A_152 : vector<64x128xi32>, vector<64x128xi32>, i32
    }
    %while3A_109 = arith.constant 32768 : i32
    %while3A_110:3 = scf.while (%while3A_117 = %while3A_108#0, %while3A_118 = %while3A_108#1, %while3A_119 = %while3A_108#2) : (vector<64x128xi32>, vector<64x128xi32>, i32) -> (vector<64x128xi32>, vector<64x128xi32>, i32) {
      %ge3A = arith.constant 1 : i32
      %ge3A_120 = arith.cmpi sge, %while3A_119, %ge3A : i32
      scf.condition(%ge3A_120) %while3A_117, %while3A_118, %while3A_119 : vector<64x128xi32>, vector<64x128xi32>, i32
    } do {
    ^bb0(%while3A_117: vector<64x128xi32>, %while3A_118: vector<64x128xi32>, %while3A_119: i32):
      %sub3A_120 = arith.constant 128 : i32
      %sub3A_121 = arith.subi %sub3A_120, %while3A_119 : i32
      %roll3A_122 = tpu.dynamic_rotate %while3A_117 by %sub3A_121 dim 1 : vector<64x128xi32>, i32 -> vector<64x128xi32>
      %roll3A_123 = tpu.dynamic_rotate %while3A_117 by %while3A_119 dim 1 : vector<64x128xi32>, i32 -> vector<64x128xi32>
      %sub3A_124 = arith.constant 128 : i32
      %sub3A_125 = arith.subi %sub3A_124, %while3A_119 : i32
      %roll3A_126 = tpu.dynamic_rotate %while3A_118 by %sub3A_125 dim 1 : vector<64x128xi32>, i32 -> vector<64x128xi32>
      %roll3A_127 = tpu.dynamic_rotate %while3A_118 by %while3A_119 dim 1 : vector<64x128xi32>, i32 -> vector<64x128xi32>
      %and3A_128 = vector.broadcast %while3A_119 : i32 to vector<64x128xi32>
      %and3A_129 = arith.andi %add3A_105, %and3A_128 : vector<64x128xi32>
      %ne3A_130 = arith.constant 0 : i32
      %ne3A_131 = vector.broadcast %ne3A_130 : i32 to vector<64x128xi32>
      %ne3A_132 = arith.cmpi ne, %and3A_129, %ne3A_131 : vector<64x128xi32>
      %select_n3A_133 = arith.select %ne3A_132, %roll3A_123, %roll3A_122 : vector<64x128xi1>, vector<64x128xi32>
      %select_n3A_134 = arith.select %ne3A_132, %roll3A_127, %roll3A_126 : vector<64x128xi1>, vector<64x128xi32>
      %gt3A_135 = arith.cmpi sgt, %while3A_117, %select_n3A_133 : vector<64x128xi32>
      %eq3A_136 = arith.cmpi eq, %while3A_117, %select_n3A_133 : vector<64x128xi32>
      %lt3A_137 = arith.cmpi slt, %while3A_118, %select_n3A_134 : vector<64x128xi32>
      %and3A_138 = arith.andi %eq3A_136, %lt3A_137 : vector<64x128xi1>
      %or3A_139 = arith.ori %gt3A_135, %and3A_138 : vector<64x128xi1>
      %and3A_140 = vector.broadcast %while3A_109 : i32 to vector<64x128xi32>
      %and3A_141 = arith.andi %add3A_105, %and3A_140 : vector<64x128xi32>
      %ne3A_142 = arith.constant 0 : i32
      %ne3A_143 = vector.broadcast %ne3A_142 : i32 to vector<64x128xi32>
      %ne3A_144 = arith.cmpi ne, %and3A_141, %ne3A_143 : vector<64x128xi32>
      %ne3A_145 = arith.xori %or3A_139, %ne3A_132 : vector<64x128xi1>
      %ne3A_146 = arith.xori %ne3A_145, %ne3A_144 : vector<64x128xi1>
      %select_n3A_147 = arith.select %ne3A_146, %while3A_117, %select_n3A_133 : vector<64x128xi1>, vector<64x128xi32>
      %select_n3A_148 = arith.select %ne3A_146, %while3A_118, %select_n3A_134 : vector<64x128xi1>, vector<64x128xi32>
      %shift_right_logical3A_149 = arith.constant 1 : i32
      %shift_right_logical3A_150 = arith.shrui %while3A_119, %shift_right_logical3A_149 : i32
      scf.yield %select_n3A_147, %select_n3A_148, %shift_right_logical3A_150 : vector<64x128xi32>, vector<64x128xi32>, i32
    }
    %slice3A_111 = vector.extract_strided_slice %while3A_110#1 {offsets = [0, 0], sizes = [40, 128], strides = [1, 1]} : vector<64x128xi32> to vector<40x128xi32>
    %swap3A = arith.constant 0 : index
    %swap3A_112 = arith.constant 0 : index
    %swap3A_113 = arith.constant 0 : index
    %swap3A_114 = vector.load %arg2[%swap3A, %swap3A_112, %swap3A_113] : memref<1x40x128xi32, #tpu.memory_space<vmem>>, vector<1x40x128xi32>
    %swap3A_115 = vector.shape_cast %swap3A_114 : vector<1x40x128xi32> to vector<40x128xi32>
    %swap3A_116 = vector.shape_cast %slice3A_111 : vector<40x128xi32> to vector<1x40x128xi32>
    tpu.vector_store %arg2[%swap3A, %swap3A_112, %swap3A_113], %swap3A_116 {strides = array<i32>} : memref<1x40x128xi32, #tpu.memory_space<vmem>>, vector<1x40x128xi32>,
    return
  }
  func.func @transform_0(%arg0: i32) -> (i32, i32, i32) {
    %c0_i32 = arith.constant 0 : i32
    %c0_i32_0 = arith.constant 0 : i32
    %c0_i32_1 = arith.constant 0 : i32
    return %arg0, %c0_i32, %c0_i32_0 : i32, i32, i32
  }
  func.func @transform_1(%arg0: i32) -> (i32, i32, i32) {
    %c0_i32 = arith.constant 0 : i32
    %c0_i32_0 = arith.constant 0 : i32
    %c0_i32_1 = arith.constant 0 : i32
    return %arg0, %c0_i32, %c0_i32_0 : i32, i32, i32
  }
}

module attributes {stable_mosaic.version = 14 : i64} {
  func.func @_nms_body(%arg0: i32, %arg1: memref<1x20x256x4xf32, #tpu.memory_space<vmem>>, %arg2: memref<1x20x4x256xf32, #tpu.memory_space<vmem>>, %arg3: memref<1x1024x4xf32, #tpu.memory_space<vmem>>, %arg4: memref<20x8x256xf32, #tpu.memory_space<vmem>>) attributes {dimension_semantics = [#tpu.dimension_semantics<parallel>], iteration_bounds = array<i64: 4>, scalar_prefetch = 0 : i64, scratch_operands = 1 : i64, tpu.core_type = #tpu.core_type<tc>, window_params = [{transform_indices = @transform_0, window_bounds = array<i64: 1, 20, 256, 4>}, {transform_indices = @transform_1, window_bounds = array<i64: 1, 20, 4, 256>}, {transform_indices = @transform_2, window_bounds = array<i64: 1, 1024, 4>}]} {
    %broadcast_in_dim3A = arith.constant 0.000000e+00 : f32
    %broadcast_in_dim3A_0 = vector.broadcast %broadcast_in_dim3A : f32 to vector<1024x4xf32>
    %swap3A = arith.constant 0 : index
    %swap3A_1 = arith.constant 0 : index
    %swap3A_2 = arith.constant 0 : index
    %swap3A_3 = vector.load %arg3[%swap3A, %swap3A_1, %swap3A_2] : memref<1x1024x4xf32, #tpu.memory_space<vmem>>, vector<1x1024x4xf32>
    %swap3A_4 = vector.shape_cast %swap3A_3 : vector<1x1024x4xf32> to vector<1024x4xf32>
    %swap3A_5 = vector.shape_cast %broadcast_in_dim3A_0 : vector<1024x4xf32> to vector<1x1024x4xf32>
    tpu.vector_store %arg3[%swap3A, %swap3A_1, %swap3A_2], %swap3A_5 {strides = array<i32>} : memref<1x1024x4xf32, #tpu.memory_space<vmem>>, vector<1x1024x4xf32>,
    %iota3A = tpu.iota {dimensions = array<i32: 0>} : vector<256x256xi32>
    %iota3A_6 = tpu.iota {dimensions = array<i32: 1>} : vector<256x256xi32>
    %gt3A = arith.cmpi sgt, %iota3A, %iota3A_6 : vector<256x256xi32>
    %jit3A = arith.constant 1.000000e+00 : f32
    %jit3A_7 = arith.constant 0.000000e+00 : f32
    %broadcast_in_dim3A_8 = vector.broadcast %jit3A : f32 to vector<256x256xf32>
    %broadcast_in_dim3A_9 = vector.broadcast %jit3A_7 : f32 to vector<256x256xf32>
    %select_n3A = arith.select %gt3A, %broadcast_in_dim3A_8, %broadcast_in_dim3A_9 : vector<256x256xi1>, vector<256x256xf32>
    %le3A = arith.cmpi sle, %iota3A, %iota3A_6 : vector<256x256xi32>
    %jit3A_10 = arith.constant 1.000000e+00 : f32
    %jit3A_11 = arith.constant 0.000000e+00 : f32
    %broadcast_in_dim3A_12 = vector.broadcast %jit3A_10 : f32 to vector<256x256xf32>
    %broadcast_in_dim3A_13 = vector.broadcast %jit3A_11 : f32 to vector<256x256xf32>
    %select_n3A_14 = arith.select %le3A, %broadcast_in_dim3A_12, %broadcast_in_dim3A_13 : vector<256x256xi1>, vector<256x256xf32>
    %eq3A = arith.cmpi eq, %iota3A, %iota3A_6 : vector<256x256xi32>
    %jit3A_15 = arith.constant 1.000000e+00 : f32
    %jit3A_16 = arith.constant 0.000000e+00 : f32
    %broadcast_in_dim3A_17 = vector.broadcast %jit3A_15 : f32 to vector<256x256xf32>
    %broadcast_in_dim3A_18 = vector.broadcast %jit3A_16 : f32 to vector<256x256xf32>
    %select_n3A_19 = arith.select %eq3A, %broadcast_in_dim3A_17, %broadcast_in_dim3A_18 : vector<256x256xi1>, vector<256x256xf32>
    %iota3A_20 = tpu.iota {dimensions = array<i32: 0>} : vector<256x1xi32>
    %iota3A_21 = tpu.iota {dimensions = array<i32: 0>} : vector<1024x1xi32>
    %while3A = arith.constant 0 : i32
    %while3A_22 = arith.constant 0 : i32
    %while3A_23:2 = scf.while (%while3A_24 = %while3A, %while3A_25 = %while3A_22) : (i32, i32) -> (i32, i32) {
      %lt3A = arith.constant 20 : i32
      %lt3A_26 = arith.cmpi slt, %while3A_24, %lt3A : i32
      %lt3A_27 = arith.constant 1000 : i32
      %lt3A_28 = arith.cmpi slt, %while3A_25, %lt3A_27 : i32
      %and3A = arith.andi %lt3A_26, %lt3A_28 : i1
      scf.condition(%and3A) %while3A_24, %while3A_25 : i32, i32
    } do {
    ^bb0(%while3A_24: i32, %while3A_25: i32):
      %get3A = arith.constant 0 : index
      %get3A_26 = arith.index_cast %while3A_24 : i32 to index
      %get3A_27 = arith.constant 0 : index
      %get3A_28 = arith.constant 0 : index
      %get3A_29 = vector.load %arg1[%get3A, %get3A_26, %get3A_27, %get3A_28] : memref<1x20x256x4xf32, #tpu.memory_space<vmem>>, vector<1x1x256x4xf32>
      %get3A_30 = vector.shape_cast %get3A_29 : vector<1x1x256x4xf32> to vector<256x4xf32>
      %get3A_31 = arith.constant 0 : index
      %get3A_32 = arith.index_cast %while3A_24 : i32 to index
      %get3A_33 = arith.constant 0 : index
      %get3A_34 = arith.constant 0 : index
      %get3A_35 = vector.load %arg2[%get3A_31, %get3A_32, %get3A_33, %get3A_34] : memref<1x20x4x256xf32, #tpu.memory_space<vmem>>, vector<1x1x4x256xf32>
      %get3A_36 = vector.shape_cast %get3A_35 : vector<1x1x4x256xf32> to vector<4x256xf32>
      %slice3A = vector.extract_strided_slice %get3A_30 {offsets = [0, 0], sizes = [256, 1], strides = [1, 1]} : vector<256x4xf32> to vector<256x1xf32>
      %slice3A_37 = vector.extract_strided_slice %get3A_30 {offsets = [0, 1], sizes = [256, 1], strides = [1, 1]} : vector<256x4xf32> to vector<256x1xf32>
      %slice3A_38 = vector.extract_strided_slice %get3A_30 {offsets = [0, 2], sizes = [256, 1], strides = [1, 1]} : vector<256x4xf32> to vector<256x1xf32>
      %slice3A_39 = vector.extract_strided_slice %get3A_30 {offsets = [0, 3], sizes = [256, 1], strides = [1, 1]} : vector<256x4xf32> to vector<256x1xf32>
      %sub3A = arith.subf %slice3A_38, %slice3A : vector<256x1xf32>
      %sub3A_40 = arith.subf %slice3A_39, %slice3A_37 : vector<256x1xf32>
      %mul3A = arith.mulf %sub3A, %sub3A_40 : vector<256x1xf32>
      %broadcast_in_dim3A_41 = arith.constant 0.000000e+00 : f32
      %broadcast_in_dim3A_42 = vector.broadcast %broadcast_in_dim3A_41 : f32 to vector<256x1xf32>
      %while3A_43 = arith.constant 0 : i32
      %while3A_44 = arith.subi %while3A_24, %while3A_43 : i32
      %while3A_45 = arith.addi %while3A_43, %while3A_44 : i32
      %while3A_46 = arith.constant 1 : i32
      %while3A_47 = arith.divsi %while3A_44, %while3A_46 : i32
      %while3A_48 = arith.muli %while3A_47, %while3A_46 : i32
      %while3A_49 = arith.addi %while3A_43, %while3A_48 : i32
      %while3A_50 = arith.constant 1 : i32
      %while3A_51 = scf.for %while3A_203 = %while3A_43 to %while3A_49 step %while3A_50 iter_args(%while3A_204 = %broadcast_in_dim3A_42) -> (vector<256x1xf32>)  : i32 {
        %get3A_205 = arith.constant 0 : index
        %get3A_206 = arith.index_cast %while3A_203 : i32 to index
        %get3A_207 = arith.constant 0 : index
        %get3A_208 = arith.constant 0 : index
        %get3A_209 = vector.load %arg2[%get3A_205, %get3A_206, %get3A_207, %get3A_208] : memref<1x20x4x256xf32, #tpu.memory_space<vmem>>, vector<1x1x4x256xf32>
        %get3A_210 = vector.shape_cast %get3A_209 : vector<1x1x4x256xf32> to vector<4x256xf32>
        %slice3A_211 = vector.extract_strided_slice %get3A_210 {offsets = [0, 0], sizes = [1, 256], strides = [1, 1]} : vector<4x256xf32> to vector<1x256xf32>
        %slice3A_212 = vector.extract_strided_slice %get3A_210 {offsets = [1, 0], sizes = [1, 256], strides = [1, 1]} : vector<4x256xf32> to vector<1x256xf32>
        %slice3A_213 = vector.extract_strided_slice %get3A_210 {offsets = [2, 0], sizes = [1, 256], strides = [1, 1]} : vector<4x256xf32> to vector<1x256xf32>
        %slice3A_214 = vector.extract_strided_slice %get3A_210 {offsets = [3, 0], sizes = [1, 256], strides = [1, 1]} : vector<4x256xf32> to vector<1x256xf32>
        %sub3A_215 = arith.subf %slice3A_213, %slice3A_211 : vector<1x256xf32>
        %sub3A_216 = arith.subf %slice3A_214, %slice3A_212 : vector<1x256xf32>
        %mul3A_217 = arith.mulf %sub3A_215, %sub3A_216 : vector<1x256xf32>
        %min3A_218 = vector.broadcast %slice3A_38 : vector<256x1xf32> to vector<256x256xf32>
        %min3A_219 = vector.broadcast %slice3A_213 : vector<1x256xf32> to vector<256x256xf32>
        %min3A_220 = arith.minimumf %min3A_218, %min3A_219 : vector<256x256xf32>
        %max3A_221 = vector.broadcast %slice3A : vector<256x1xf32> to vector<256x256xf32>
        %max3A_222 = vector.broadcast %slice3A_211 : vector<1x256xf32> to vector<256x256xf32>
        %max3A_223 = arith.maximumf %max3A_221, %max3A_222 : vector<256x256xf32>
        %sub3A_224 = arith.subf %min3A_220, %max3A_223 : vector<256x256xf32>
        %max3A_225 = arith.constant 0.000000e+00 : f32
        %max3A_226 = vector.broadcast %max3A_225 : f32 to vector<256x256xf32>
        %max3A_227 = arith.maximumf %max3A_226, %sub3A_224 : vector<256x256xf32>
        %min3A_228 = vector.broadcast %slice3A_39 : vector<256x1xf32> to vector<256x256xf32>
        %min3A_229 = vector.broadcast %slice3A_214 : vector<1x256xf32> to vector<256x256xf32>
        %min3A_230 = arith.minimumf %min3A_228, %min3A_229 : vector<256x256xf32>
        %max3A_231 = vector.broadcast %slice3A_37 : vector<256x1xf32> to vector<256x256xf32>
        %max3A_232 = vector.broadcast %slice3A_212 : vector<1x256xf32> to vector<256x256xf32>
        %max3A_233 = arith.maximumf %max3A_231, %max3A_232 : vector<256x256xf32>
        %sub3A_234 = arith.subf %min3A_230, %max3A_233 : vector<256x256xf32>
        %max3A_235 = arith.constant 0.000000e+00 : f32
        %max3A_236 = vector.broadcast %max3A_235 : f32 to vector<256x256xf32>
        %max3A_237 = arith.maximumf %max3A_236, %sub3A_234 : vector<256x256xf32>
        %mul3A_238 = arith.mulf %max3A_227, %max3A_237 : vector<256x256xf32>
        %add3A_239 = vector.broadcast %mul3A : vector<256x1xf32> to vector<256x256xf32>
        %add3A_240 = vector.broadcast %mul3A_217 : vector<1x256xf32> to vector<256x256xf32>
        %add3A_241 = arith.addf %add3A_239, %add3A_240 : vector<256x256xf32>
        %sub3A_242 = arith.subf %add3A_241, %mul3A_238 : vector<256x256xf32>
        %gt3A_243 = arith.constant 0.000000e+00 : f32
        %gt3A_244 = vector.broadcast %gt3A_243 : f32 to vector<256x256xf32>
        %gt3A_245 = arith.cmpf ogt, %sub3A_242, %gt3A_244 : vector<256x256xf32>
        %div3A_246 = arith.divf %mul3A_238, %sub3A_242 : vector<256x256xf32>
        %jit3A_247 = arith.constant 0.000000e+00 : f32
        %broadcast_in_dim3A_248 = vector.broadcast %jit3A_247 : f32 to vector<256x256xf32>
        %select_n3A_249 = arith.select %gt3A_245, %div3A_246, %broadcast_in_dim3A_248 : vector<256x256xi1>, vector<256x256xf32>
        %get3A_250 = arith.index_cast %while3A_203 : i32 to index
        %get3A_251 = arith.constant 0 : index
        %get3A_252 = arith.constant 0 : index
        %get3A_253 = vector.load %arg4[%get3A_250, %get3A_251, %get3A_252] : memref<20x8x256xf32, #tpu.memory_space<vmem>>, vector<1x1x256xf32>
        %get3A_254 = vector.shape_cast %get3A_253 : vector<1x1x256xf32> to vector<1x256xf32>
        %gt3A_255 = arith.constant 0.699999988 : f32
        %gt3A_256 = vector.broadcast %gt3A_255 : f32 to vector<256x256xf32>
        %gt3A_257 = arith.cmpf ogt, %select_n3A_249, %gt3A_256 : vector<256x256xf32>
        %gt3A_258 = arith.constant 0.000000e+00 : f32
        %gt3A_259 = vector.broadcast %gt3A_258 : f32 to vector<1x256xf32>
        %gt3A_260 = arith.cmpf ogt, %get3A_254, %gt3A_259 : vector<1x256xf32>
        %and3A_261 = vector.broadcast %gt3A_260 : vector<1x256xi1> to vector<256x256xi1>
        %and3A_262 = arith.andi %gt3A_257, %and3A_261 : vector<256x256xi1>
        %jit3A_263 = arith.constant 1.000000e+00 : f32
        %jit3A_264 = arith.constant 0.000000e+00 : f32
        %broadcast_in_dim3A_265 = vector.broadcast %jit3A_263 : f32 to vector<256x256xf32>
        %broadcast_in_dim3A_266 = vector.broadcast %jit3A_264 : f32 to vector<256x256xf32>
        %select_n3A_267 = arith.select %and3A_262, %broadcast_in_dim3A_265, %broadcast_in_dim3A_266 : vector<256x256xi1>, vector<256x256xf32>
        %reduce_sum3A_268 = arith.constant dense<0.000000e+00> : vector<256xf32>
        %reduce_sum3A_269 = vector.multi_reduction <add>, %select_n3A_267, %reduce_sum3A_268 [1] : vector<256x256xf32> to vector<256xf32>
        %broadcast_in_dim3A_270 = vector.shape_cast %reduce_sum3A_269 : vector<256xf32> to vector<256x1xf32>
        %add3A_271 = arith.addf %while3A_204, %broadcast_in_dim3A_270 : vector<256x1xf32>
        scf.yield %add3A_271 : vector<256x1xf32>
      }
      %while3A_52 = arith.constant 1 : i32
      %while3A_53 = scf.for %while3A_203 = %while3A_49 to %while3A_45 step %while3A_52 iter_args(%while3A_204 = %while3A_51) -> (vector<256x1xf32>)  : i32 {
        %get3A_205 = arith.constant 0 : index
        %get3A_206 = arith.index_cast %while3A_203 : i32 to index
        %get3A_207 = arith.constant 0 : index
        %get3A_208 = arith.constant 0 : index
        %get3A_209 = vector.load %arg2[%get3A_205, %get3A_206, %get3A_207, %get3A_208] : memref<1x20x4x256xf32, #tpu.memory_space<vmem>>, vector<1x1x4x256xf32>
        %get3A_210 = vector.shape_cast %get3A_209 : vector<1x1x4x256xf32> to vector<4x256xf32>
        %slice3A_211 = vector.extract_strided_slice %get3A_210 {offsets = [0, 0], sizes = [1, 256], strides = [1, 1]} : vector<4x256xf32> to vector<1x256xf32>
        %slice3A_212 = vector.extract_strided_slice %get3A_210 {offsets = [1, 0], sizes = [1, 256], strides = [1, 1]} : vector<4x256xf32> to vector<1x256xf32>
        %slice3A_213 = vector.extract_strided_slice %get3A_210 {offsets = [2, 0], sizes = [1, 256], strides = [1, 1]} : vector<4x256xf32> to vector<1x256xf32>
        %slice3A_214 = vector.extract_strided_slice %get3A_210 {offsets = [3, 0], sizes = [1, 256], strides = [1, 1]} : vector<4x256xf32> to vector<1x256xf32>
        %sub3A_215 = arith.subf %slice3A_213, %slice3A_211 : vector<1x256xf32>
        %sub3A_216 = arith.subf %slice3A_214, %slice3A_212 : vector<1x256xf32>
        %mul3A_217 = arith.mulf %sub3A_215, %sub3A_216 : vector<1x256xf32>
        %min3A_218 = vector.broadcast %slice3A_38 : vector<256x1xf32> to vector<256x256xf32>
        %min3A_219 = vector.broadcast %slice3A_213 : vector<1x256xf32> to vector<256x256xf32>
        %min3A_220 = arith.minimumf %min3A_218, %min3A_219 : vector<256x256xf32>
        %max3A_221 = vector.broadcast %slice3A : vector<256x1xf32> to vector<256x256xf32>
        %max3A_222 = vector.broadcast %slice3A_211 : vector<1x256xf32> to vector<256x256xf32>
        %max3A_223 = arith.maximumf %max3A_221, %max3A_222 : vector<256x256xf32>
        %sub3A_224 = arith.subf %min3A_220, %max3A_223 : vector<256x256xf32>
        %max3A_225 = arith.constant 0.000000e+00 : f32
        %max3A_226 = vector.broadcast %max3A_225 : f32 to vector<256x256xf32>
        %max3A_227 = arith.maximumf %max3A_226, %sub3A_224 : vector<256x256xf32>
        %min3A_228 = vector.broadcast %slice3A_39 : vector<256x1xf32> to vector<256x256xf32>
        %min3A_229 = vector.broadcast %slice3A_214 : vector<1x256xf32> to vector<256x256xf32>
        %min3A_230 = arith.minimumf %min3A_228, %min3A_229 : vector<256x256xf32>
        %max3A_231 = vector.broadcast %slice3A_37 : vector<256x1xf32> to vector<256x256xf32>
        %max3A_232 = vector.broadcast %slice3A_212 : vector<1x256xf32> to vector<256x256xf32>
        %max3A_233 = arith.maximumf %max3A_231, %max3A_232 : vector<256x256xf32>
        %sub3A_234 = arith.subf %min3A_230, %max3A_233 : vector<256x256xf32>
        %max3A_235 = arith.constant 0.000000e+00 : f32
        %max3A_236 = vector.broadcast %max3A_235 : f32 to vector<256x256xf32>
        %max3A_237 = arith.maximumf %max3A_236, %sub3A_234 : vector<256x256xf32>
        %mul3A_238 = arith.mulf %max3A_227, %max3A_237 : vector<256x256xf32>
        %add3A_239 = vector.broadcast %mul3A : vector<256x1xf32> to vector<256x256xf32>
        %add3A_240 = vector.broadcast %mul3A_217 : vector<1x256xf32> to vector<256x256xf32>
        %add3A_241 = arith.addf %add3A_239, %add3A_240 : vector<256x256xf32>
        %sub3A_242 = arith.subf %add3A_241, %mul3A_238 : vector<256x256xf32>
        %gt3A_243 = arith.constant 0.000000e+00 : f32
        %gt3A_244 = vector.broadcast %gt3A_243 : f32 to vector<256x256xf32>
        %gt3A_245 = arith.cmpf ogt, %sub3A_242, %gt3A_244 : vector<256x256xf32>
        %div3A_246 = arith.divf %mul3A_238, %sub3A_242 : vector<256x256xf32>
        %jit3A_247 = arith.constant 0.000000e+00 : f32
        %broadcast_in_dim3A_248 = vector.broadcast %jit3A_247 : f32 to vector<256x256xf32>
        %select_n3A_249 = arith.select %gt3A_245, %div3A_246, %broadcast_in_dim3A_248 : vector<256x256xi1>, vector<256x256xf32>
        %get3A_250 = arith.index_cast %while3A_203 : i32 to index
        %get3A_251 = arith.constant 0 : index
        %get3A_252 = arith.constant 0 : index
        %get3A_253 = vector.load %arg4[%get3A_250, %get3A_251, %get3A_252] : memref<20x8x256xf32, #tpu.memory_space<vmem>>, vector<1x1x256xf32>
        %get3A_254 = vector.shape_cast %get3A_253 : vector<1x1x256xf32> to vector<1x256xf32>
        %gt3A_255 = arith.constant 0.699999988 : f32
        %gt3A_256 = vector.broadcast %gt3A_255 : f32 to vector<256x256xf32>
        %gt3A_257 = arith.cmpf ogt, %select_n3A_249, %gt3A_256 : vector<256x256xf32>
        %gt3A_258 = arith.constant 0.000000e+00 : f32
        %gt3A_259 = vector.broadcast %gt3A_258 : f32 to vector<1x256xf32>
        %gt3A_260 = arith.cmpf ogt, %get3A_254, %gt3A_259 : vector<1x256xf32>
        %and3A_261 = vector.broadcast %gt3A_260 : vector<1x256xi1> to vector<256x256xi1>
        %and3A_262 = arith.andi %gt3A_257, %and3A_261 : vector<256x256xi1>
        %jit3A_263 = arith.constant 1.000000e+00 : f32
        %jit3A_264 = arith.constant 0.000000e+00 : f32
        %broadcast_in_dim3A_265 = vector.broadcast %jit3A_263 : f32 to vector<256x256xf32>
        %broadcast_in_dim3A_266 = vector.broadcast %jit3A_264 : f32 to vector<256x256xf32>
        %select_n3A_267 = arith.select %and3A_262, %broadcast_in_dim3A_265, %broadcast_in_dim3A_266 : vector<256x256xi1>, vector<256x256xf32>
        %reduce_sum3A_268 = arith.constant dense<0.000000e+00> : vector<256xf32>
        %reduce_sum3A_269 = vector.multi_reduction <add>, %select_n3A_267, %reduce_sum3A_268 [1] : vector<256x256xf32> to vector<256xf32>
        %broadcast_in_dim3A_270 = vector.shape_cast %reduce_sum3A_269 : vector<256xf32> to vector<256x1xf32>
        %add3A_271 = arith.addf %while3A_204, %broadcast_in_dim3A_270 : vector<256x1xf32>
        scf.yield %add3A_271 : vector<256x1xf32>
      }
      %slice3A_54 = vector.extract_strided_slice %get3A_36 {offsets = [0, 0], sizes = [1, 256], strides = [1, 1]} : vector<4x256xf32> to vector<1x256xf32>
      %slice3A_55 = vector.extract_strided_slice %get3A_36 {offsets = [1, 0], sizes = [1, 256], strides = [1, 1]} : vector<4x256xf32> to vector<1x256xf32>
      %slice3A_56 = vector.extract_strided_slice %get3A_36 {offsets = [2, 0], sizes = [1, 256], strides = [1, 1]} : vector<4x256xf32> to vector<1x256xf32>
      %slice3A_57 = vector.extract_strided_slice %get3A_36 {offsets = [3, 0], sizes = [1, 256], strides = [1, 1]} : vector<4x256xf32> to vector<1x256xf32>
      %sub3A_58 = arith.subf %slice3A_56, %slice3A_54 : vector<1x256xf32>
      %sub3A_59 = arith.subf %slice3A_57, %slice3A_55 : vector<1x256xf32>
      %mul3A_60 = arith.mulf %sub3A_58, %sub3A_59 : vector<1x256xf32>
      %min3A = vector.broadcast %slice3A_38 : vector<256x1xf32> to vector<256x256xf32>
      %min3A_61 = vector.broadcast %slice3A_56 : vector<1x256xf32> to vector<256x256xf32>
      %min3A_62 = arith.minimumf %min3A, %min3A_61 : vector<256x256xf32>
      %max3A = vector.broadcast %slice3A : vector<256x1xf32> to vector<256x256xf32>
      %max3A_63 = vector.broadcast %slice3A_54 : vector<1x256xf32> to vector<256x256xf32>
      %max3A_64 = arith.maximumf %max3A, %max3A_63 : vector<256x256xf32>
      %sub3A_65 = arith.subf %min3A_62, %max3A_64 : vector<256x256xf32>
      %max3A_66 = arith.constant 0.000000e+00 : f32
      %max3A_67 = vector.broadcast %max3A_66 : f32 to vector<256x256xf32>
      %max3A_68 = arith.maximumf %max3A_67, %sub3A_65 : vector<256x256xf32>
      %min3A_69 = vector.broadcast %slice3A_39 : vector<256x1xf32> to vector<256x256xf32>
      %min3A_70 = vector.broadcast %slice3A_57 : vector<1x256xf32> to vector<256x256xf32>
      %min3A_71 = arith.minimumf %min3A_69, %min3A_70 : vector<256x256xf32>
      %max3A_72 = vector.broadcast %slice3A_37 : vector<256x1xf32> to vector<256x256xf32>
      %max3A_73 = vector.broadcast %slice3A_55 : vector<1x256xf32> to vector<256x256xf32>
      %max3A_74 = arith.maximumf %max3A_72, %max3A_73 : vector<256x256xf32>
      %sub3A_75 = arith.subf %min3A_71, %max3A_74 : vector<256x256xf32>
      %max3A_76 = arith.constant 0.000000e+00 : f32
      %max3A_77 = vector.broadcast %max3A_76 : f32 to vector<256x256xf32>
      %max3A_78 = arith.maximumf %max3A_77, %sub3A_75 : vector<256x256xf32>
      %mul3A_79 = arith.mulf %max3A_68, %max3A_78 : vector<256x256xf32>
      %add3A = vector.broadcast %mul3A : vector<256x1xf32> to vector<256x256xf32>
      %add3A_80 = vector.broadcast %mul3A_60 : vector<1x256xf32> to vector<256x256xf32>
      %add3A_81 = arith.addf %add3A, %add3A_80 : vector<256x256xf32>
      %sub3A_82 = arith.subf %add3A_81, %mul3A_79 : vector<256x256xf32>
      %gt3A_83 = arith.constant 0.000000e+00 : f32
      %gt3A_84 = vector.broadcast %gt3A_83 : f32 to vector<256x256xf32>
      %gt3A_85 = arith.cmpf ogt, %sub3A_82, %gt3A_84 : vector<256x256xf32>
      %div3A = arith.divf %mul3A_79, %sub3A_82 : vector<256x256xf32>
      %jit3A_86 = arith.constant 0.000000e+00 : f32
      %broadcast_in_dim3A_87 = vector.broadcast %jit3A_86 : f32 to vector<256x256xf32>
      %select_n3A_88 = arith.select %gt3A_85, %div3A, %broadcast_in_dim3A_87 : vector<256x256xi1>, vector<256x256xf32>
      %gt3A_89 = arith.constant 0.699999988 : f32
      %gt3A_90 = vector.broadcast %gt3A_89 : f32 to vector<256x256xf32>
      %gt3A_91 = arith.cmpf ogt, %select_n3A_88, %gt3A_90 : vector<256x256xf32>
      %jit3A_92 = arith.constant 1.000000e+00 : f32
      %jit3A_93 = arith.constant 0.000000e+00 : f32
      %broadcast_in_dim3A_94 = vector.broadcast %jit3A_92 : f32 to vector<256x256xf32>
      %broadcast_in_dim3A_95 = vector.broadcast %jit3A_93 : f32 to vector<256x256xf32>
      %select_n3A_96 = arith.select %gt3A_91, %broadcast_in_dim3A_94, %broadcast_in_dim3A_95 : vector<256x256xi1>, vector<256x256xf32>
      %mul3A_97 = arith.mulf %select_n3A_96, %select_n3A : vector<256x256xf32>
      %mul3A_98 = arith.constant 256 : i32
      %mul3A_99 = arith.muli %while3A_24, %mul3A_98 : i32
      %add3A_100 = vector.broadcast %mul3A_99 : i32 to vector<256x1xi32>
      %add3A_101 = arith.addi %add3A_100, %iota3A_20 : vector<256x1xi32>
      %lt3A = arith.constant 5000 : i32
      %lt3A_102 = vector.broadcast %lt3A : i32 to vector<256x1xi32>
      %lt3A_103 = arith.cmpi slt, %add3A_101, %lt3A_102 : vector<256x1xi32>
      %jit3A_104 = arith.constant 1.000000e+00 : f32
      %jit3A_105 = arith.constant 0.000000e+00 : f32
      %broadcast_in_dim3A_106 = vector.broadcast %jit3A_104 : f32 to vector<256x1xf32>
      %broadcast_in_dim3A_107 = vector.broadcast %jit3A_105 : f32 to vector<256x1xf32>
      %select_n3A_108 = arith.select %lt3A_103, %broadcast_in_dim3A_106, %broadcast_in_dim3A_107 : vector<256x1xi1>, vector<256x1xf32>
      %gt3A_109 = arith.constant 0.000000e+00 : f32
      %gt3A_110 = vector.broadcast %gt3A_109 : f32 to vector<256x1xf32>
      %gt3A_111 = arith.cmpf ogt, %while3A_53, %gt3A_110 : vector<256x1xf32>
      %jit3A_112 = arith.constant 0.000000e+00 : f32
      %jit3A_113 = arith.constant 1.000000e+00 : f32
      %broadcast_in_dim3A_114 = vector.broadcast %jit3A_112 : f32 to vector<256x1xf32>
      %broadcast_in_dim3A_115 = vector.broadcast %jit3A_113 : f32 to vector<256x1xf32>
      %select_n3A_116 = arith.select %gt3A_111, %broadcast_in_dim3A_114, %broadcast_in_dim3A_115 : vector<256x1xi1>, vector<256x1xf32>
      %mul3A_117 = arith.mulf %select_n3A_108, %select_n3A_116 : vector<256x1xf32>
      %dot_general3A = arith.constant dense<0.000000e+00> : vector<256x1xf32>
      %dot_general3A_118 = tpu.matmul %mul3A_97, %mul3A_117, %dot_general3A {dimension_numbers = #tpu.dot_dimension_numbers<[1], [0], [0], [1], [0, 0, 1, 1], [], []>, transpose_lhs_hint = false} : vector<256x256xf32>, vector<256x1xf32>, vector<256x1xf32> -> vector<256x1xf32>
      %gt3A_119 = arith.constant 0.000000e+00 : f32
      %gt3A_120 = vector.broadcast %gt3A_119 : f32 to vector<256x1xf32>
      %gt3A_121 = arith.cmpf ogt, %dot_general3A_118, %gt3A_120 : vector<256x1xf32>
      %jit3A_122 = arith.constant 0.000000e+00 : f32
      %jit3A_123 = arith.constant 1.000000e+00 : f32
      %broadcast_in_dim3A_124 = vector.broadcast %jit3A_122 : f32 to vector<256x1xf32>
      %broadcast_in_dim3A_125 = vector.broadcast %jit3A_123 : f32 to vector<256x1xf32>
      %select_n3A_126 = arith.select %gt3A_121, %broadcast_in_dim3A_124, %broadcast_in_dim3A_125 : vector<256x1xi1>, vector<256x1xf32>
      %mul3A_127 = arith.mulf %mul3A_117, %select_n3A_126 : vector<256x1xf32>
      %while3A_128:2 = scf.while (%while3A_203 = %mul3A_117, %while3A_204 = %mul3A_127) : (vector<256x1xf32>, vector<256x1xf32>) -> (vector<256x1xf32>, vector<256x1xf32>) {
        %ne3A = arith.cmpf one, %while3A_203, %while3A_204 : vector<256x1xf32>
        %reduce_or3A = arith.constant 1.000000e+00 : f32
        %reduce_or3A_205 = arith.constant 0.000000e+00 : f32
        %reduce_or3A_206 = vector.broadcast %reduce_or3A : f32 to vector<256x1xf32>
        %reduce_or3A_207 = vector.broadcast %reduce_or3A_205 : f32 to vector<256x1xf32>
        %reduce_or3A_208 = arith.select %ne3A, %reduce_or3A_206, %reduce_or3A_207 : vector<256x1xi1>, vector<256x1xf32>
        %reduce_or3A_209 = vector.shape_cast %reduce_or3A_208 : vector<256x1xf32> to vector<1x256x1xf32>
        %reduce_or3A_210 = arith.constant dense<0xFF800000> : vector<1xf32>
        %reduce_or3A_211 = vector.multi_reduction <maximumf>, %reduce_or3A_209, %reduce_or3A_210 [1, 2] : vector<1x256x1xf32> to vector<1xf32>
        %reduce_or3A_212 = vector.shape_cast %reduce_or3A_211 : vector<1xf32> to vector<1x1x1xf32>
        %reduce_or3A_213 = vector.extract %reduce_or3A_212[0, 0, 0] : f32 from vector<1x1x1xf32>
        %reduce_or3A_214 = arith.constant 0.000000e+00 : f32
        %reduce_or3A_215 = arith.cmpf ogt, %reduce_or3A_213, %reduce_or3A_214 : f32
        scf.condition(%reduce_or3A_215) %while3A_203, %while3A_204 : vector<256x1xf32>, vector<256x1xf32>
      } do {
      ^bb0(%while3A_203: vector<256x1xf32>, %while3A_204: vector<256x1xf32>):
        %dot_general3A_205 = arith.constant dense<0.000000e+00> : vector<256x1xf32>
        %dot_general3A_206 = tpu.matmul %mul3A_97, %while3A_204, %dot_general3A_205 {dimension_numbers = #tpu.dot_dimension_numbers<[1], [0], [0], [1], [0, 0, 1, 1], [], []>, transpose_lhs_hint = false} : vector<256x256xf32>, vector<256x1xf32>, vector<256x1xf32> -> vector<256x1xf32>
        %gt3A_207 = arith.constant 0.000000e+00 : f32
        %gt3A_208 = vector.broadcast %gt3A_207 : f32 to vector<256x1xf32>
        %gt3A_209 = arith.cmpf ogt, %dot_general3A_206, %gt3A_208 : vector<256x1xf32>
        %jit3A_210 = arith.constant 0.000000e+00 : f32
        %jit3A_211 = arith.constant 1.000000e+00 : f32
        %broadcast_in_dim3A_212 = vector.broadcast %jit3A_210 : f32 to vector<256x1xf32>
        %broadcast_in_dim3A_213 = vector.broadcast %jit3A_211 : f32 to vector<256x1xf32>
        %select_n3A_214 = arith.select %gt3A_209, %broadcast_in_dim3A_212, %broadcast_in_dim3A_213 : vector<256x1xi1>, vector<256x1xf32>
        %mul3A_215 = arith.mulf %mul3A_117, %select_n3A_214 : vector<256x1xf32>
        scf.yield %while3A_204, %mul3A_215 : vector<256x1xf32>, vector<256x1xf32>
      }
      %mul3A_129 = vector.broadcast %while3A_128#1 : vector<256x1xf32> to vector<256x256xf32>
      %mul3A_130 = arith.mulf %mul3A_129, %select_n3A_19 : vector<256x256xf32>
      %reduce_sum3A = arith.constant dense<0.000000e+00> : vector<256xf32>
      %reduce_sum3A_131 = vector.multi_reduction <add>, %mul3A_130, %reduce_sum3A [0] : vector<256x256xf32> to vector<256xf32>
      %broadcast_in_dim3A_132 = vector.shape_cast %reduce_sum3A_131 : vector<256xf32> to vector<1x256xf32>
      %swap3A_133 = arith.index_cast %while3A_24 : i32 to index
      %swap3A_134 = arith.constant 0 : index
      %swap3A_135 = arith.constant 0 : index
      %swap3A_136 = vector.load %arg4[%swap3A_133, %swap3A_134, %swap3A_135] : memref<20x8x256xf32, #tpu.memory_space<vmem>>, vector<1x1x256xf32>
      %swap3A_137 = vector.shape_cast %swap3A_136 : vector<1x1x256xf32> to vector<1x256xf32>
      %swap3A_138 = vector.shape_cast %broadcast_in_dim3A_132 : vector<1x256xf32> to vector<1x1x256xf32>
      tpu.vector_store %arg4[%swap3A_133, %swap3A_134, %swap3A_135], %swap3A_138 {strides = array<i32>} : memref<20x8x256xf32, #tpu.memory_space<vmem>>, vector<1x1x256xf32>,
      %dot_general3A_139 = arith.constant dense<0.000000e+00> : vector<1x256xf32>
      %dot_general3A_140 = tpu.matmul %broadcast_in_dim3A_132, %select_n3A_14, %dot_general3A_139 {dimension_numbers = #tpu.dot_dimension_numbers<[1], [0], [0], [1], [0, 0, 1, 1], [], []>, transpose_lhs_hint = false} : vector<1x256xf32>, vector<256x256xf32>, vector<1x256xf32> -> vector<1x256xf32>
      %convert_element_type3A = arith.fptosi %dot_general3A_140 : vector<1x256xf32> to vector<1x256xi32>
      %add3A_141 = vector.broadcast %while3A_25 : i32 to vector<1x256xi32>
      %add3A_142 = arith.addi %add3A_141, %convert_element_type3A : vector<1x256xi32>
      %sub3A_143 = arith.constant 1 : i32
      %sub3A_144 = vector.broadcast %sub3A_143 : i32 to vector<1x256xi32>
      %sub3A_145 = arith.subi %add3A_142, %sub3A_144 : vector<1x256xi32>
      %eq3A_146 = vector.broadcast %iota3A_21 : vector<1024x1xi32> to vector<1024x256xi32>
      %eq3A_147 = vector.broadcast %sub3A_145 : vector<1x256xi32> to vector<1024x256xi32>
      %eq3A_148 = arith.cmpi eq, %eq3A_146, %eq3A_147 : vector<1024x256xi32>
      %gt3A_149 = arith.constant 0.000000e+00 : f32
      %gt3A_150 = vector.broadcast %gt3A_149 : f32 to vector<1x256xf32>
      %gt3A_151 = arith.cmpf ogt, %broadcast_in_dim3A_132, %gt3A_150 : vector<1x256xf32>
      %and3A = vector.broadcast %gt3A_151 : vector<1x256xi1> to vector<1024x256xi1>
      %and3A_152 = arith.andi %eq3A_148, %and3A : vector<1024x256xi1>
      %jit3A_153 = arith.constant 1.000000e+00 : f32
      %jit3A_154 = arith.constant 0.000000e+00 : f32
      %broadcast_in_dim3A_155 = vector.broadcast %jit3A_153 : f32 to vector<1024x256xf32>
      %broadcast_in_dim3A_156 = vector.broadcast %jit3A_154 : f32 to vector<1024x256xf32>
      %select_n3A_157 = arith.select %and3A_152, %broadcast_in_dim3A_155, %broadcast_in_dim3A_156 : vector<1024x256xi1>, vector<1024x256xf32>
      %slice3A_158 = vector.extract_strided_slice %get3A_36 {offsets = [0, 0], sizes = [1, 256], strides = [1, 1]} : vector<4x256xf32> to vector<1x256xf32>
      %mul3A_159 = vector.broadcast %slice3A_158 : vector<1x256xf32> to vector<1024x256xf32>
      %mul3A_160 = arith.mulf %select_n3A_157, %mul3A_159 : vector<1024x256xf32>
      %reduce_sum3A_161 = arith.constant dense<0.000000e+00> : vector<1024xf32>
      %reduce_sum3A_162 = vector.multi_reduction <add>, %mul3A_160, %reduce_sum3A_161 [1] : vector<1024x256xf32> to vector<1024xf32>
      %broadcast_in_dim3A_163 = vector.shape_cast %reduce_sum3A_162 : vector<1024xf32> to vector<1024x1xf32>
      %slice3A_164 = vector.extract_strided_slice %get3A_36 {offsets = [1, 0], sizes = [1, 256], strides = [1, 1]} : vector<4x256xf32> to vector<1x256xf32>
      %mul3A_165 = vector.broadcast %slice3A_164 : vector<1x256xf32> to vector<1024x256xf32>
      %mul3A_166 = arith.mulf %select_n3A_157, %mul3A_165 : vector<1024x256xf32>
      %reduce_sum3A_167 = arith.constant dense<0.000000e+00> : vector<1024xf32>
      %reduce_sum3A_168 = vector.multi_reduction <add>, %mul3A_166, %reduce_sum3A_167 [1] : vector<1024x256xf32> to vector<1024xf32>
      %broadcast_in_dim3A_169 = vector.shape_cast %reduce_sum3A_168 : vector<1024xf32> to vector<1024x1xf32>
      %slice3A_170 = vector.extract_strided_slice %get3A_36 {offsets = [2, 0], sizes = [1, 256], strides = [1, 1]} : vector<4x256xf32> to vector<1x256xf32>
      %mul3A_171 = vector.broadcast %slice3A_170 : vector<1x256xf32> to vector<1024x256xf32>
      %mul3A_172 = arith.mulf %select_n3A_157, %mul3A_171 : vector<1024x256xf32>
      %reduce_sum3A_173 = arith.constant dense<0.000000e+00> : vector<1024xf32>
      %reduce_sum3A_174 = vector.multi_reduction <add>, %mul3A_172, %reduce_sum3A_173 [1] : vector<1024x256xf32> to vector<1024xf32>
      %broadcast_in_dim3A_175 = vector.shape_cast %reduce_sum3A_174 : vector<1024xf32> to vector<1024x1xf32>
      %slice3A_176 = vector.extract_strided_slice %get3A_36 {offsets = [3, 0], sizes = [1, 256], strides = [1, 1]} : vector<4x256xf32> to vector<1x256xf32>
      %mul3A_177 = vector.broadcast %slice3A_176 : vector<1x256xf32> to vector<1024x256xf32>
      %mul3A_178 = arith.mulf %select_n3A_157, %mul3A_177 : vector<1024x256xf32>
      %reduce_sum3A_179 = arith.constant dense<0.000000e+00> : vector<1024xf32>
      %reduce_sum3A_180 = vector.multi_reduction <add>, %mul3A_178, %reduce_sum3A_179 [1] : vector<1024x256xf32> to vector<1024xf32>
      %broadcast_in_dim3A_181 = vector.shape_cast %reduce_sum3A_180 : vector<1024xf32> to vector<1024x1xf32>
      %get3A_182 = arith.constant 0 : index
      %get3A_183 = arith.constant 0 : index
      %get3A_184 = arith.constant 0 : index
      %get3A_185 = vector.load %arg3[%get3A_182, %get3A_183, %get3A_184] : memref<1x1024x4xf32, #tpu.memory_space<vmem>>, vector<1x1024x4xf32>
      %get3A_186 = vector.shape_cast %get3A_185 : vector<1x1024x4xf32> to vector<1024x4xf32>
      %concatenate3A = tpu.concatenate %broadcast_in_dim3A_163, %broadcast_in_dim3A_169, %broadcast_in_dim3A_175, %broadcast_in_dim3A_181 in 1 : vector<1024x1xf32>, vector<1024x1xf32>, vector<1024x1xf32>, vector<1024x1xf32> -> vector<1024x4xf32>
      %add3A_187 = arith.addf %get3A_186, %concatenate3A : vector<1024x4xf32>
      %swap3A_188 = arith.constant 0 : index
      %swap3A_189 = arith.constant 0 : index
      %swap3A_190 = arith.constant 0 : index
      %swap3A_191 = vector.load %arg3[%swap3A_188, %swap3A_189, %swap3A_190] : memref<1x1024x4xf32, #tpu.memory_space<vmem>>, vector<1x1024x4xf32>
      %swap3A_192 = vector.shape_cast %swap3A_191 : vector<1x1024x4xf32> to vector<1024x4xf32>
      %swap3A_193 = vector.shape_cast %add3A_187 : vector<1024x4xf32> to vector<1x1024x4xf32>
      tpu.vector_store %arg3[%swap3A_188, %swap3A_189, %swap3A_190], %swap3A_193 {strides = array<i32>} : memref<1x1024x4xf32, #tpu.memory_space<vmem>>, vector<1x1024x4xf32>,
      %reduce_sum3A_194 = vector.shape_cast %broadcast_in_dim3A_132 : vector<1x256xf32> to vector<1x1x256xf32>
      %reduce_sum3A_195 = arith.constant dense<0.000000e+00> : vector<1xf32>
      %reduce_sum3A_196 = vector.multi_reduction <add>, %reduce_sum3A_194, %reduce_sum3A_195 [1, 2] : vector<1x1x256xf32> to vector<1xf32>
      %reduce_sum3A_197 = vector.shape_cast %reduce_sum3A_196 : vector<1xf32> to vector<1x1x1xf32>
      %reduce_sum3A_198 = vector.extract %reduce_sum3A_197[0, 0, 0] : f32 from vector<1x1x1xf32>
      %convert_element_type3A_199 = arith.fptosi %reduce_sum3A_198 : f32 to i32
      %add3A_200 = arith.addi %while3A_25, %convert_element_type3A_199 : i32
      %add3A_201 = arith.constant 1 : i32
      %add3A_202 = arith.addi %while3A_24, %add3A_201 : i32
      scf.yield %add3A_202, %add3A_200 : i32, i32
    }
    return
  }
  func.func @transform_0(%arg0: i32) -> (i32, i32, i32, i32) {
    %c0_i32 = arith.constant 0 : i32
    %c0_i32_0 = arith.constant 0 : i32
    %c0_i32_1 = arith.constant 0 : i32
    %c0_i32_2 = arith.constant 0 : i32
    return %arg0, %c0_i32, %c0_i32_0, %c0_i32_1 : i32, i32, i32, i32
  }
  func.func @transform_1(%arg0: i32) -> (i32, i32, i32, i32) {
    %c0_i32 = arith.constant 0 : i32
    %c0_i32_0 = arith.constant 0 : i32
    %c0_i32_1 = arith.constant 0 : i32
    %c0_i32_2 = arith.constant 0 : i32
    return %arg0, %c0_i32, %c0_i32_0, %c0_i32_1 : i32, i32, i32, i32
  }
  func.func @transform_2(%arg0: i32) -> (i32, i32, i32) {
    %c0_i32 = arith.constant 0 : i32
    %c0_i32_0 = arith.constant 0 : i32
    %c0_i32_1 = arith.constant 0 : i32
    return %arg0, %c0_i32, %c0_i32_0 : i32, i32, i32
  }
}

</mosaic_0001>

<sc_bundles>
// kernel: kernel.5.cloned.1.call-start
scs
__scs_entry_jumppad:
0x0: {  	(pc) =	sbr.rel $0x88, $3  }
0x1: {  	(tag) =	ssettag $0x0;
	lr =	simm.s32 $0x1  }
0x2: {  	[smem:$0x3F9F] =	sst lr;
	_ =	strace $0xD0000000  }
0x3: {  	_ = 	snop  }
0x4: {  	_ = 	snop  }
0x5: {  	_ = 	snop  }
0x6: {  	_ = 	snop  }
0x7: {  	_ = 	snop  }
__scs_overlays_trampoline_lowered:
0x8: {  	[smem:$0x3FAE] =	sst s0  }
0x9: {  	[smem:$0x3FAF] =	sst s1  }
0xa: {  	[smem:$0x3FB0] =	sst s2  }
0xb: {  	[smem:$0x3FB1] =	sst s3  }
0xc: {  	[smem:$0x3FB2] =	sst s4  }
0xd: {  	[smem:$0x3FB3] =	sst s5  }
0xe: {  	[smem:$0x3FB4] =	sst s6  }
0xf: {  	[smem:$0x3FB5] =	sst s7  }
0x10: {  	[smem:$0x3FB6] =	sst s8  }
0x11: {  	[smem:$0x3FB7] =	sst s9;
	s0 =	simm.s32 @!p0 $0x0  }
0x12: {  	s1 =	sld [smem:$0x3F9D];
	s0 =	simm.s32 @p0 $0x1  }
0x13: {  	[smem:$0x3FB8] =	sst s0;
	s0 =	simm.s32 @!p1 $0x0  }
0x14: {  	s2 =	sld [smem:$0x3F9C];
	s0 =	simm.s32 @p1 $0x1  }
0x15: {  	[smem:$0x3FB9] =	sst s0;
	s0 =	simm.s32 @!p2 $0x0  }
0x16: {  	s3 =	sld [smem:$0x3FDB];
	s0 =	simm.s32 @p2 $0x1  }
0x17: {  	s4 =	simm.s32 $0x1BF5;
	[smem:$0x3FBB] =	sst s0  }
0x18: {  	s0 =	sld [smem:$0x3F9E];
	_ =	swait.ge [sflag:s4], $0x0  }
0x19: {  	s7 =	sld [smem:$0x3F9F]  }
0x1a: {  	s8 =	sadd.s32 $0xFFFFE003, lr  }
0x1b: {  	s9 =	sadd.s32 $0xFFFFFEF7, lr;
	s5 =	simm.s32 $0xFFFFFFFF;
	p2 =	slt.u32 s8, $0xFFFFF086  }
0x1c: {  	p1 =	slt.u32 s9, $0xF7A;
	s5 =	simm.s32 @!p2 $0x0  }
0x1d: {  	s5 =	simm.s32 @p1 $0x1;
	p0 =	seq.s32 s7, s2  }
0x1e: {  	s7 =	smul.u32 @!p0 $0xF7A, s2;
	p2 =	seq.s32 @!p0 s5, $0x0  }
0x1f: {  	s9 =	smul.u32 $0xF7A, s1;
	s8 =	simm.s32 @!p0 $0x1BF5;
	p2 =	por !p2, p0  }
0x20: {  	[sflag:s8] =	ssyncset.s32 @!p0 $0xFFFFF086;
	s6 =	sadd.s32 @!p0 s3, s7;
	s7 =	simm.s32 @!p0 $0x108  }
0x21: {  	s3 =	sadd.s32 s3, s9;
	s6 =	sadd.s32 @!p0 $0x88, s6;
	s7 =	simm.s32 @p2 $0x1082  }
0x22: {  	[simem:s7], [sflag:s8] =	dma.local @!p0 [hbm:s6], $0xF7A  }
0x23: {  	s9 =	sor.u32 $0xD0000000, s2;
	s6 =	simm.s32 $0x108;
	_ =	swait.ge @!p0 [sflag:s8], $0x0  }
0x24: {  	s3 =	sadd.s32 $0x88, s3;
	s6 =	simm.s32 @!p1 $0x1082;
	[sflag:s4] =	ssyncset.s32 $0xFFFFF086  }
0x25: {  	[simem:s6], [sflag:s4] =	dma.local [hbm:s3], $0xF7A  }
0x26: {  	[smem:$0x3F9F] =	sst s1;
	(tag) =	ssettag s2;
	_ =	strace s9  }
0x27: {  	s1 =	sld [smem:$0x3FAF]  }
0x28: {  	s2 =	sld [smem:$0x3FB0]  }
0x29: {  	s4 =	sld [smem:$0x3FB2]  }
0x2a: {  	p0 =	seq.s32 s5, $0x0;
	s5 =	sld [smem:$0x3FB3]  }
0x2b: {  	s6 =	sld [smem:$0x3FB4]  }
0x2c: {  	s7 =	sld [smem:$0x3FB5]  }
0x2d: {  	s3 =	simm.s32 $0x108;
	s8 =	sld [smem:$0x3FB6]  }
0x2e: {  	s3 =	simm.s32 @!p0 $0x1082;
	s9 =	sld [smem:$0x3FB7]  }
0x2f: {  	lr =	sadd.s32 s0, s3;
	s0 =	sld [smem:$0x3FAE]  }
0x30: {  	s3 =	sld [smem:$0x3FB1]  }
0x31: {  	[smem:$0x3FBA] =	sst s10  }
0x32: {  	s10 =	sld [smem:$0x3FB8];
	_ =	sdelay $0x3  }
0x33: {  	p0 =	seq.s32 s10, $0x1;
	s10 =	sld [smem:$0x3FBA];
	_ =	sdelay $0x3  }
0x34: {  	[smem:$0x3FBA] =	sst s10  }
0x35: {  	s10 =	sld [smem:$0x3FB9];
	_ =	sdelay $0x3  }
0x36: {  	p1 =	seq.s32 s10, $0x1;
	s10 =	sld [smem:$0x3FBA];
	_ =	sdelay $0x3  }
0x37: {  	[smem:$0x3FBA] =	sst s10  }
0x38: {  	s10 =	sld [smem:$0x3FBB]  }
0x39: {  	_ = 	snop;
	(pc) =	sbr.ind lr, $3  }
0x3a: {  	_ = 	snop  }
0x3b: {  	_ = 	snop  }
0x3c: {  	p2 =	seq.s32 s10, $0x1;
	s10 =	sld [smem:$0x3FBA]  }
0x3d: {  	_ =	shalt  }
0x3e: {  	_ =	shalt  }
0x3f: {  	_ =	shalt  }
0x40: {  	_ =	shalt  }
0x41: {  	_ =	shalt  }
0x42: {  	_ =	shalt  }
0x43: {  	_ =	shalt  }
0x44: {  	_ =	shalt  }
0x45: {  	_ =	shalt  }
0x46: {  	_ =	shalt  }
0x47: {  	_ =	shalt  }
0x48: {  	_ =	shalt  }
0x49: {  	_ =	shalt  }
0x4a: {  	_ =	shalt  }
0x4b: {  	_ =	shalt  }
0x4c: {  	_ =	shalt  }
0x4d: {  	_ =	shalt  }
0x4e: {  	_ =	shalt  }
0x4f: {  	_ =	shalt  }
0x50: {  	_ =	shalt  }
0x51: {  	_ =	shalt  }
0x52: {  	_ =	shalt  }
0x53: {  	_ =	shalt  }
0x54: {  	_ =	shalt  }
0x55: {  	_ =	shalt  }
0x56: {  	_ =	shalt  }
0x57: {  	_ =	shalt  }
0x58: {  	_ =	shalt  }
0x59: {  	_ =	shalt  }
0x5a: {  	_ =	shalt  }
0x5b: {  	_ =	shalt  }
0x5c: {  	_ =	shalt  }
0x5d: {  	_ =	shalt  }
0x5e: {  	_ =	shalt  }
0x5f: {  	_ =	shalt  }
0x60: {  	_ =	shalt  }
0x61: {  	_ =	shalt  }
0x62: {  	_ =	shalt  }
0x63: {  	_ =	shalt  }
0x64: {  	_ =	shalt  }
0x65: {  	_ =	shalt  }
0x66: {  	_ =	shalt  }
0x67: {  	_ =	shalt  }
0x68: {  	_ =	shalt  }
0x69: {  	_ =	shalt  }
0x6a: {  	_ =	shalt  }
0x6b: {  	_ =	shalt  }
0x6c: {  	_ =	shalt  }
0x6d: {  	_ =	shalt  }
0x6e: {  	_ =	shalt  }
0x6f: {  	_ =	shalt  }
0x70: {  	_ =	shalt  }
0x71: {  	_ =	shalt  }
0x72: {  	_ =	shalt  }
0x73: {  	_ =	shalt  }
0x74: {  	_ =	shalt  }
0x75: {  	_ =	shalt  }
0x76: {  	_ =	shalt  }
0x77: {  	_ =	shalt  }
0x78: {  	_ =	shalt  }
0x79: {  	_ =	shalt  }
0x7a: {  	_ =	shalt  }
0x7b: {  	_ =	shalt  }
0x7c: {  	_ =	shalt  }
0x7d: {  	_ =	shalt  }
0x7e: {  	_ =	shalt  }
0x7f: {  	_ =	shalt  }
0x80: {  	_ =	shalt  }
0x81: {  	_ =	shalt  }
0x82: {  	_ =	shalt  }
0x83: {  	_ =	shalt  }
0x84: {  	_ =	shalt  }
0x85: {  	_ =	shalt  }
0x86: {  	_ =	shalt  }
0x87: {  	_ =	shalt  }
.Lfunc_end0:
.L_simem_size_0:
called_computation_lowered:
.L_overlay_start_0:
0x88: {  	s2 =	sld [smem:$0x3FD9]  }
0x89: {  	s3 =	sld [smem:$0x3FFE];
	_ =	sdelay $0x1  }
0x8a: {  	s1 =	srdreg.scid  }
0x8b: {  	s0 =	sand.u32 $0x1, s1  }
0x8c: {  	s16 =	sshll.u32 s0, $0xA;
	s2 =	sadd.s32 s3, s2  }
0x8d: {  	s2 =	sadd.s32 s2, s16  }
0x8e: {  	[smem:$0x3FC6] =	sst s2  }
0x8f: {  	_ = 	snop  }
0x90: {  	(tm) =	ssettm $0x1  }
0x91: {  	s17 =	sld [smem:$0x3FFB];
	_ =	sdelay $0x3  }
0x92: {  	_ =	strace s17  }
0x93: {  	s2 =	sld [smem:$0x3FFC];
	_ =	sdelay $0x3  }
0x94: {  	_ =	strace s2  }
0x95: {  	s2 =	sld [smem:$0x3FFD];
	_ =	sdelay $0x3  }
0x96: {  	_ =	strace s2  }
0x97: {  	_ =	strace $0x8FFFFFFF  }
0x98: {  	s18 =	sld [smem:$0x3FDB];
	_ =	sdelay $0x1  }
0x99: {  	s19 =	simm.s32 $_scs_section_size  }
0x9a: {  	s4 =	simm.s32 $_size__tile_overlayer_lowered;
	s5 =	simm.s32 $_tile_overlayer_lowered  }
0x9b: {  	s22 =	simm.s32 $0x1BFF;
	s21 =	sshll.u32 s5, $0x1;
	s2 =	sadd.s32 s19, s18  }
0x9c: {  	s6 =	simm.s32 $0x0;
	s20 =	sshll.u32 s4, $0x1;
	s4 =	sadd.s32 s21, s2  }
0x9d: {  	[timem:s6], [sflag:s22] =	dma.local [hbm:s4], s20  }
0x9e: {  	_ =	swait.ge [sflag:s22], s20  }
0x9f: {  	s3 =	ssub.s32 $0x0, s20;
	[sflag:s22] =	ssyncset.done $0x0  }
0xa0: {  	[sflag:s22] =	ssyncadd.s32 s3;
	_ =	sdelay $0x1  }
0xa1: {  	s23 =	simm.s32 $0x1B8B  }
0xa2: {  	_ =	swait.ge [sflag:s23], $0x1  }
0xa3: {  	[sflag:s23] =	ssyncset.done $0x0  }
0xa4: {  	s25 =	simm.s32 $0x1B8E;
	s24 =	sld [smem:$0x3FFE];
	[sflag:s23] =	ssyncadd.s32 $0xFFFFFFFF  }
0xa5: {  	s26 =	simm.s32 $execute0_lowered;
	[smem:$0x3FD2] =	sst s25  }
0xa6: {  	s4 =	sshll.u32 s26, $0x1;
	_ =	strace $0x80000046;
	[dreg:$0x1] =	wrdreg $0xFFFFFFFF  }
0xa7: {  	s28 =	simm.s32 $_size_execute0_lowered;
	s2 =	sadd.s32 s2, s4;
	[dreg:$0x0] =	wrdreg $0x0  }
0xa8: {  	s4 =	sshll.u32 s28, $0x1;
	[dreg:$0x2] =	wrdreg s2  }
0xa9: {  	[dreg:$0x3] =	wrdreg s4  }
0xaa: {  	[dreg:$0x4] =	wrdreg $0xC0  }
0xab: {  	_ =	task [dreg:s6], $0x5FFFF  }
0xac: {  	[dreg:$0x1] =	wrdreg $0xFFFFFFFF  }
0xad: {  	[dreg:$0x0] =	wrdreg $0x60  }
0xae: {  	[dreg:$0x2] =	wrdreg s24  }
0xaf: {  	[dreg:$0x3] =	wrdreg $0x9  }
0xb0: {  	_ =	task.clear_ibuf [dreg:s6], $0x4FFFF;
	_ =	strace $0x90000046  }
0xb1: {  	s29 =	simm.s32 $0x9;
	_ =	strace $0x80000048  }
0xb2: {  	_ =	swait.ge [sflag:s29], $0x1  }
0xb3: {  	[sflag:s29] =	ssyncadd.s32 $0xFFFFFFFF  }
0xb4: {  	_ =	strace $0x90000048  }
0xb5: {  	_ =	sfence  }
0xb6: {  	s30 =	sld [smem:$0x0];
	_ =	sdelay $0x2  }
0xb7: {  	s31 =	sshll.u32 s1, $0xD;
	s1 =	sshrl.u32 s1, $0x2  }
0xb8: {  	s3 =	sand.u32 $0x4000, s31;
	s1 =	sadd.s32 s1, s30  }
0xb9: {  	s0 =	sor.u32 s3, s0;
	s1 =	sshll.u32 s1, $0x11  }
0xba: {  	s0 =	sor.u32 s1, s0  }
0xbb: {  	s0 =	sadd.s32 $0x8F2B, s0  }
0xbc: {  	[sflag:s0] =	ssyncadd.remote.s32 $0x1  }
0xbd: {  	_ =	sfence.sel $0xFFFF  }
0xbe: {  	[dreg:$0x0] =	wrdreg $0xFFFFFFFF;
	(pc) =	sbr.abs _section_cstart, $3  }
0xbf: {  	[dreg:$0x1] =	wrdreg $0xFFFFFFFF  }
0xc0: {  	_ =	task.clear_ibuf [dreg:s6], $0x2FFFF;
	_ =	strace $0x9FFFFFFF  }
0xc1: {  	(tm) =	ssettm $0x7FFFFFFF  }
tec
execute0_lowered:
.L_overlay_start_1:
0x0: {  	(tag) =	ssettag $0x1  }
0x1: {  	s1 =	srdreg.scid;
	s0 =	stileid.u32  }
0x2: {  	s5 =	rddreg [dreg:$0x0];
	s2 =	simm.s32 $0x0;
	s9 =	simm.s32 $0x1  }
0x3: {  	s3 =	sand.u32 $0x1, s1;
	s31 =	sshll.u32 s0, $0x1;
	s7 =	sshrl.u32 s0, $0x2  }
0x4: {  	s10 =	simm.s32 $0x13B00;
	s4 =	sor.u32 s3, s31;
	s7 =	smul.u32 $0x2710, s7  }
0x5: {  	s11 =	simm.s32 $0x0;
	s1 =	rddreg [dreg:$0x1];
	s6 =	smul.u32 $0x50, s4  }
0x6: {  	v0 =	vlaneseq.u32;
	[smem:$0x7FF] =	sst s2;
	s3 =	ssub.s32 $0x2, s3;
	s4 =	smul.u32 $0x140, s4  }
0x7: {  	v1 =	vand.u32 $0x1, v0;
	v0 =	vmul.u32 $0x4, v0;
	_ =	strace $0x80000047;
	s8 =	sshrl.u32 s3, $0x1;
	s7 =	sadd.s32 s7, s5  }
0x8: {  	v1 =	vmul.u32 $0x4, v1;
	s8 =	ssub.s32 s3, s8;
	s6 =	sadd.s32 s6, s5;
	s5 =	sadd.s32 s4, s5  }
0x9: {  	v2 =	vor.u32 $0x1, v0;
	s4 =	sadd.s32 $0x139000, s7;
	s7 =	simm.s32 $0x2;
	s3 =	sadd.s32 $0x800, s6  }
0xa: {  	v3 =	vor.u32 $0x2, v0;
	v4 =	vor.u32 $0x3, v0;
	v1 =	vor.u32 $0xFFFFFFF8, v1;
	s5 =	sadd.s32 $0x1200, s5;
	s6 =	smax.u32 s8, $0x1;
	s8 =	simm.s32 $0x280  }
.LBB2_1:
0xb: {  	[tilespmem:s2], [sflag:$0x2] =	stream.linear.gather [hbm4b:s3+s2], $0x280, $0x38;
	[tilespmem:$0x14500] =	vst v63  }
0xc: {  	_ =	swait.ge [sflag:s7], $0x280  }
0xd: {  	[sflag:s7] =	ssyncset.done $0x0  }
0xe: {  	[sflag:s7] =	ssyncadd.s32 $0xFFFFFD80  }
0xf: {  	[tilespmem:s8], [sflag:$0x1] =	stream.linear.gather [hbm4b:s4+s2], $0x13880, $0x38;
	[tilespmem:$0x14500] =	vst v63  }
0x10: {  	_ =	swait.ge [sflag:s9], $0x13880  }
0x11: {  	[sflag:s9] =	ssyncset.done $0x0  }
0x12: {  	s12 =	simm.s32 $0x0;
	[sflag:s9] =	ssyncadd.s32 $0xFFFEC780  }
0x13: {  	v5 =	vld [tilespmem:s12+$0x0];
	_ =	sdelay $0x4  }
0x14: {  	v5 =	vshll.u32 v5, $0x2;
	_ =	sdelay $0x3  }
0x15: {  	v6 =	vor.u32 s2, v0  }
0x16: {  	v6 =	vand.u32 v1, v6;
	v7 =	vld.idx.msk [tilespmem:v5+s8+$0x0], $0xffff  }
0x17: {  	v8 =	vor.u32 $0x1, v5;
	_ =	sdelay $0x3  }
0x18: {  	[tilespmem:v6+s10+$0x0] =	vst.idx.msk $0xffff, v7  }
0x19: {  	v7 =	vor.u32 s2, v2;
	v6 =	vld.idx.msk [tilespmem:v8+s8+$0x0], $0xffff  }
0x1a: {  	v8 =	vor.u32 $0x2, v5;
	_ =	sdelay $0x3  }
0x1b: {  	[tilespmem:v7+s10+$0x0] =	vst.idx.msk $0xffff, v6  }
0x1c: {  	v7 =	vor.u32 s2, v3;
	v6 =	vld.idx.msk [tilespmem:v8+s8+$0x0], $0xffff  }
0x1d: {  	v5 =	vor.u32 $0x3, v5;
	_ =	sdelay $0x3  }
0x1e: {  	[tilespmem:v7+s10+$0x0] =	vst.idx.msk $0xffff, v6  }
0x1f: {  	s13 =	simm.s32 $0x80;
	s12 =	simm.s32 $0x40;
	v6 =	vor.u32 s2, v4;
	v5 =	vld.idx.msk [tilespmem:v5+s8+$0x0], $0xffff  }
.LBB2_2:
0x20: {  	_ =	sdelay $0x2  }
0x21: {  	p0 =	sne.s32 s13, $0x9C0  }
0x22: {  	s14 =	sshra.s32 s12, $0x2;
	s15 =	smov.u32 s13;
	s13 =	sadd.s32 $0x40, s13;
	[tilespmem:v6+s10+$0x0] =	vst.idx.msk $0xffff, v5  }
0x23: {  	v5 =	vld [tilespmem:s14+$0x0];
	_ =	sdelay $0x4  }
0x24: {  	v5 =	vshll.u32 v5, $0x2;
	_ =	sdelay $0x4  }
0x25: {  	v7 =	vor.u32 s12, v0;
	v6 =	vld.idx.msk [tilespmem:v5+s8+$0x0], $0xffff  }
0x26: {  	v7 =	vand.u32 v1, v7  }
0x27: {  	v8 =	vor.u32 $0x1, v5;
	_ =	sdelay $0x3  }
0x28: {  	[tilespmem:v7+s10+$0x0] =	vst.idx.msk $0xffff, v6  }
0x29: {  	v6 =	vld.idx.msk [tilespmem:v8+s8+$0x0], $0xffff  }
0x2a: {  	v7 =	vor.u32 s12, v2  }
0x2b: {  	v8 =	vor.u32 $0x2, v5;
	_ =	sdelay $0x3  }
0x2c: {  	[tilespmem:v7+s10+$0x0] =	vst.idx.msk $0xffff, v6  }
0x2d: {  	v6 =	vld.idx.msk [tilespmem:v8+s8+$0x0], $0xffff  }
0x2e: {  	v7 =	vor.u32 s12, v3  }
0x2f: {  	v5 =	vor.u32 $0x3, v5;
	_ =	sdelay $0x1  }
.Ltmp0:
0x30: {  	(pc) =	sbr.rel @p0 .LBB2_2-.Ltmp0, $4  }
0x31: {  	_ = 	snop  }
0x32: {  	[tilespmem:v7+s10+$0x0] =	vst.idx.msk $0xffff, v6  }
0x33: {  	v5 =	vld.idx.msk [tilespmem:v5+s8+$0x0], $0xffff  }
0x34: {  	v6 =	vor.u32 s12, v4;
	s12 =	smov.u32 s15  }
0x35: {  	_ =	sdelay $0x3  }
0x36: {  	s13 =	sshra.s32 s12, $0x2;
	[tilespmem:v6+s10+$0x0] =	vst.idx.msk $0xffff, v5  }
0x37: {  	v5 =	vld [tilespmem:s13+$0x0];
	_ =	sdelay $0x4  }
0x38: {  	v5 =	vshll.u32 v5, $0x2;
	_ =	sdelay $0x3  }
0x39: {  	v6 =	vor.u32 s12, v0  }
0x3a: {  	v6 =	vand.u32 v1, v6;
	v7 =	vld.idx.msk [tilespmem:v5+s8+$0x0], $0xffff  }
0x3b: {  	v8 =	vor.u32 $0x1, v5;
	_ =	sdelay $0x3  }
0x3c: {  	[tilespmem:v6+s10+$0x0] =	vst.idx.msk $0xffff, v7  }
0x3d: {  	v7 =	vor.u32 s12, v2;
	v6 =	vld.idx.msk [tilespmem:v8+s8+$0x0], $0xffff  }
0x3e: {  	v63 =	vor.u32 $0x2, v5;
	_ =	sdelay $0x3  }
0x3f: {  	[tilespmem:v7+s10+$0x0] =	vst.idx.msk $0xffff, v6  }
0x40: {  	v7 =	vor.u32 s12, v3;
	v6 =	vld.idx.msk [tilespmem:v63+s8+$0x0], $0xffff  }
0x41: {  	v5 =	vor.u32 $0x3, v5;
	_ =	sdelay $0x3  }
0x42: {  	[tilespmem:v7+s10+$0x0] =	vst.idx.msk $0xffff, v6  }
0x43: {  	v6 =	vor.u32 s12, v4;
	v5 =	vld.idx.msk [tilespmem:v5+s8+$0x0], $0xffff;
	_ =	sdelay $0x2  }
0x44: {  	s11 =	sadd.s32 $0x1, s11  }
0x45: {  	p0 =	sne.s32 s11, s6  }
.Ltmp1:
0x46: {  	[tilespmem:v6+s10+$0x0] =	vst.idx.msk $0xffff, v5;
	(pc) =	sbr.rel @p0 .LBB2_1-.Ltmp1, $4  }
0x47: {  	[hbm4b:s5+s2] =	stream.linear.scatter [tilespmem:s10], [sflag:$0x2], $0xA00, $0x38;
	[tilespmem:$0x14500] =	vst v63  }
0x48: {  	_ =	swait.ge [sflag:s7], $0xA00  }
0x49: {  	[sflag:s7] =	ssyncset.done $0x0  }
0x4a: {  	[sflag:s7] =	ssyncadd.s32 $0xFFFFF600  }
0x4b: {  	_ =	sfence.sel $0x180000  }
0x4c: {  	[bflag:$0x0] =	sbarrier.arrive $0xFFFF  }
0x4d: {  	p0 =	sne.s32 s0, $0x0;
	_ =	strace $0x90000047  }
0x4e: {  	s0 =	sadd.s32 @!p0 $0x100000, s1;
	[bflag:$0x2] =	sbarrier.arrive $0xFFFF  }
0x4f: {  	[sflag:s0] =	ssyncadd.tile.s32 @!p0 $0x1;
	_ =	shalt  }
.Lfunc_end2:
_tile_overlayer_lowered:
.L_overlay_start_2:
0x50: {  	(tag) =	ssettag $0x2  }
0x51: {  	s0 =	rddreg [dreg:$0x0];
	s2 =	stileid.u32  }
0x52: {  	s1 =	rddreg [dreg:$0x1];
	p0 =	sne.s32 s2, $0x0  }
0x53: {  	s3 =	rddreg [dreg:$0x2];
	[bflag:$0x3] =	sbarrier.arrive $0xFFFF;
	s2 =	simm.s32 @!p0 $0x1C02  }
0x54: {  	[timem:s3], [sflag:s2] =	dma.local @!p0 [hbm:s0], s1  }
0x55: {  	s0 =	simm.s32 @!p0 $0x2  }
0x56: {  	_ =	swait.ge @!p0 [sflag:s0], s1  }
0x57: {  	s1 =	ssub.s32 @!p0 $0x0, s1;
	[sflag:s0] =	ssyncset.done @!p0 $0x0  }
0x58: {  	[sflag:s0] =	ssyncadd.s32 @!p0 s1  }
0x59: {  	[bflag:$0x3] =	sbarrier.arrive $0xFFFF  }
0x5a: {  	_ =	shalt  }

</sc_bundles>
